<compile_context>
chip_gen: v7x
topology: tpu7x:2x2x1
jax: 0.10.2.dev20260603
libtpu: 0.0.44.dev20260713+nightly
codegen_flags: <defaults>
</compile_context>

<pallas_src>
import functools

import jax
import jax.numpy as jnp
from jax import lax
from jax.experimental import pallas as pl
from jax.experimental.pallas import tpu as pltpu
from jax.experimental.pallas import tpu_sc as plsc

N = 16384
D = 64
_PORT_V = 65536
_PROTO_V = 256
_INFO = plsc.get_sparse_core_info()
_NC, _NS = _INFO.num_cores, _INFO.num_subcores
_NW = _NC * _NS
_BPW = N // _NW
_CHUNK = 128
_NBUF = 4

_MESH = plsc.VectorSubcoreMesh(core_axis_name="c", subcore_axis_name="s")


@functools.partial(
    pl.kernel,
    mesh=_MESH,
    compiler_params=pltpu.CompilerParams(needs_layout_passes=False),
    out_type=jax.ShapeDtypeStruct((N, 2 * D), jnp.float32),
    scratch_types=[
        [pltpu.VMEM((_CHUNK,), jnp.int32) for _ in range(_BPW // _CHUNK)],
        [pltpu.VMEM((_CHUNK, 2 * D), jnp.float32) for _ in range(_NBUF)],
        [pltpu.SemaphoreType.DMA for _ in range(_NBUF)],
        [pltpu.SemaphoreType.DMA for _ in range(_NBUF)],
    ],
)
def _sc_gather(table128, idx_hbm, out_hbm, idx_bufs, pair_bufs, gsems, wsems):
    wid = lax.axis_index("s") * _NC + lax.axis_index("c")
    base = wid * _BPW
    nchunks = _BPW // _CHUNK
    assert nchunks == _NBUF
    for c in range(nchunks):
        pltpu.sync_copy(idx_hbm.at[pl.ds(base + c * _CHUNK, _CHUNK)],
                        idx_bufs[c])
    gathers = [
        pltpu.async_copy(table128.at[idx_bufs[c]], pair_bufs[c], gsems[c])
        for c in range(nchunks)
    ]
    writes = []
    for c, g in enumerate(gathers):
        g.wait()
        writes.append(pltpu.async_copy(
            pair_bufs[c], out_hbm.at[pl.ds(base + c * _CHUNK, _CHUNK)],
            wsems[c]))
    for w in writes:
        w.wait()



_TBLK = 16384


def _tp_body(x_ref, o_ref):
    o_ref[:, 0:D] = x_ref[...].T


def _row_major_padded(table_t, vocab):
    blk = min(_TBLK, vocab)
    return pl.pallas_call(
        _tp_body,
        grid=(vocab // blk,),
        in_specs=[pl.BlockSpec((D, blk), lambda i: (0, i))],
        out_specs=pl.BlockSpec((blk, 2 * D), lambda i: (i, 0)),
        out_shape=jax.ShapeDtypeStruct((vocab, 2 * D), jnp.float32),
    )(table_t)


def _ip_body(w_ref, x_ref, b_ref, o_ref):
    o_ref[...] = (
        lax.dot_general(w_ref[...], x_ref[...], (((0,), (0,)), ((), ())),
                        preferred_element_type=jnp.float32)
        + b_ref[...]
    )


_IP_BLK = 4096


def _ip_linear(ip_features_t, W_ip, b_ip):
    return pl.pallas_call(
        _ip_body,
        grid=(N // _IP_BLK,),
        in_specs=[
            pl.BlockSpec((32, D), lambda i: (0, 0)),
            pl.BlockSpec((32, _IP_BLK), lambda i: (0, i)),
            pl.BlockSpec((D, 1), lambda i: (0, 0)),
        ],
        out_specs=pl.BlockSpec((D, _IP_BLK), lambda i: (0, i)),
        out_shape=jax.ShapeDtypeStruct((D, N), jnp.float32),
    )(W_ip, ip_features_t, b_ip.reshape(D, 1))


def kernel(ip_features, port_indices, proto_indices, W_ip, b_ip,
           port_table, proto_table):
    x_ip_t = _ip_linear(ip_features.T, W_ip, b_ip)
    proto128 = _row_major_padded(proto_table.T, _PROTO_V)
    xq128 = _sc_gather(proto128, proto_indices.astype(jnp.int32))
    port128 = _row_major_padded(port_table.T, _PORT_V)
    xp128 = _sc_gather(port128, port_indices.astype(jnp.int32))
    return (x_ip_t.T, xp128[:, :D], xq128[:, :D])

# --- scband reference (transcript-rebuilt; emitter-appended) ---
"""Pipeline reference for scband-hetero-log-encoder-34291018892017 (READ-ONLY COPY).

The authoritative reference and input builder live on the scoring server;
editing this copy changes nothing except your own understanding.
"""

import jax, jax.numpy as jnp
import numpy as np

EMBED_DIM = 64
PORT_VOCAB = 65536
PROTO_VOCAB = 256
N = 16384

def setup_inputs(seed: int = 0) -> dict:
    key = jax.random.key(seed)
    k1, k2, k3, k4, k5, k6, k7 = jax.random.split(key, 7)
    ip_features = jax.random.uniform(k1, (N, 32), dtype=jnp.float32)
    port_indices = jax.random.randint(k2, (N,), 0, PORT_VOCAB, dtype=jnp.int64 if jax.config.jax_enable_x64 else jnp.int32)
    proto_indices = jax.random.randint(k3, (N,), 0, PROTO_VOCAB, dtype=jnp.int64 if jax.config.jax_enable_x64 else jnp.int32)
    # Parameters: nn.Linear(32, 64) and two embedding tables
    W_ip = jax.random.normal(k4, (32, EMBED_DIM), dtype=jnp.float32) * (1.0 / np.sqrt(32))
    b_ip = jax.random.normal(k5, (EMBED_DIM,), dtype=jnp.float32) * 0.01
    port_table = jax.random.normal(k6, (PORT_VOCAB, EMBED_DIM), dtype=jnp.float32)
    proto_table = jax.random.normal(k7, (PROTO_VOCAB, EMBED_DIM), dtype=jnp.float32)
    return {"ip_features": ip_features, "port_indices": port_indices, "proto_indices": proto_indices,
            "W_ip": W_ip, "b_ip": b_ip, "port_table": port_table, "proto_table": proto_table}

def reference(ip_features, port_indices, proto_indices, W_ip, b_ip, port_table, proto_table):
    # x_ip = self.ip_encoder(ip_features)  (nn.Linear)
    x_ip = ip_features @ W_ip + b_ip
    # x_port = self.port_encoder(port_indices)  (nn.Embedding gather)
    x_port = jnp.take(port_table, port_indices, axis=0)
    # x_proto = self.proto_encoder(proto_indices)
    x_proto = jnp.take(proto_table, proto_indices, axis=0)
    return (x_ip, x_port, x_proto)

if __name__ == "__main__":
    import jax
    _d = setup_inputs()
    print(jax.jit(kernel)(*tuple(_d.values())))

</pallas_src>

<mosaic_0001>
#map = affine_map<(d0, d1) -> (0, 0)>
#map1 = affine_map<(d0, d1) -> (0)>
module attributes {stable_mosaic.version = 14 : i64} {
  func.func @_sc_gather(%arg0: i32, %arg1: i32, %arg2: memref<256x128xf32, #tpu.memory_space<hbm>>, %arg3: memref<16384xi32, #tpu.memory_space<hbm>>, %arg4: memref<16384x128xf32, #tpu.memory_space<hbm>>, %arg5: memref<128xi32, #tpu.memory_space<vmem>>, %arg6: memref<128xi32, #tpu.memory_space<vmem>>, %arg7: memref<128xi32, #tpu.memory_space<vmem>>, %arg8: memref<128xi32, #tpu.memory_space<vmem>>, %arg9: memref<128x128xf32, #tpu.memory_space<vmem>>, %arg10: memref<128x128xf32, #tpu.memory_space<vmem>>, %arg11: memref<128x128xf32, #tpu.memory_space<vmem>>, %arg12: memref<128x128xf32, #tpu.memory_space<vmem>>, %arg13: memref<!tpu.dma_semaphore, #tpu.memory_space<semaphore_mem>>, %arg14: memref<!tpu.dma_semaphore, #tpu.memory_space<semaphore_mem>>, %arg15: memref<!tpu.dma_semaphore, #tpu.memory_space<semaphore_mem>>, %arg16: memref<!tpu.dma_semaphore, #tpu.memory_space<semaphore_mem>>, %arg17: memref<!tpu.dma_semaphore, #tpu.memory_space<semaphore_mem>>, %arg18: memref<!tpu.dma_semaphore, #tpu.memory_space<semaphore_mem>>, %arg19: memref<!tpu.dma_semaphore, #tpu.memory_space<semaphore_mem>>, %arg20: memref<!tpu.dma_semaphore, #tpu.memory_space<semaphore_mem>>) attributes {dimension_semantics = [#tpu.dimension_semantics<core_parallel>, #tpu.dimension_semantics<subcore_parallel>], iteration_bounds = array<i64: 2, 16>, scalar_prefetch = 0 : i64, scratch_operands = 16 : i64, tpu.core_type = #tpu.core_type<sc_vector_subcore>, window_params = [{transform_indices = #map}, {transform_indices = #map1}, {transform_indices = #map}]} {
    %mul3A = arith.constant 2 : i32
    %mul3A_0 = arith.muli %arg1, %mul3A : i32
    %add3A = arith.addi %mul3A_0, %arg0 : i32
    %mul3A_1 = arith.constant 512 : i32
    %mul3A_2 = arith.muli %add3A, %mul3A_1 : i32
    %add3A_3 = arith.constant 0 : i32
    %add3A_4 = arith.addi %mul3A_2, %add3A_3 : i32
    "tpu.region"() ({
      %run_scoped3A = tpu.sem_alloc : memref<!tpu.dma_semaphore, #tpu.memory_space<semaphore_mem>>
      %dma_start3A_73 = tpu.memref_slice %arg3[%add3A_4] : memref<16384xi32, #tpu.memory_space<hbm>> -> memref<128xi32, #tpu.memory_space<hbm>>
      %dma_start3A_74 = tpu.memref_slice %arg3[%add3A_4] : memref<16384xi32, #tpu.memory_space<hbm>> -> memref<128xi32, #tpu.memory_space<hbm>>
      tpu.enqueue_dma source(%dma_start3A_74 : memref<128xi32, #tpu.memory_space<hbm>>) target(%arg5 : memref<128xi32, #tpu.memory_space<vmem>>) target_semaphore(%run_scoped3A : memref<!tpu.dma_semaphore, #tpu.memory_space<semaphore_mem>>)
      %dma_wait3A_75 = tpu.memref_slice %arg3[%add3A_4] : memref<16384xi32, #tpu.memory_space<hbm>> -> memref<128xi32, #tpu.memory_space<hbm>>
      %dma_wait3A_76 = tpu.memref_slice %arg3[%add3A_4] : memref<16384xi32, #tpu.memory_space<hbm>> -> memref<128xi32, #tpu.memory_space<hbm>>
      tpu.wait_dma2 semaphore(%run_scoped3A : memref<!tpu.dma_semaphore, #tpu.memory_space<semaphore_mem>>) src(%dma_wait3A_76 : memref<128xi32, #tpu.memory_space<hbm>>) dst(%arg5 : memref<128xi32, #tpu.memory_space<vmem>>)
      tpu.yield
    }) : () -> ()
    %add3A_5 = arith.constant 128 : i32
    %add3A_6 = arith.addi %mul3A_2, %add3A_5 : i32
    "tpu.region"() ({
      %run_scoped3A = tpu.sem_alloc : memref<!tpu.dma_semaphore, #tpu.memory_space<semaphore_mem>>
      %dma_start3A_73 = tpu.memref_slice %arg3[%add3A_6] : memref<16384xi32, #tpu.memory_space<hbm>> -> memref<128xi32, #tpu.memory_space<hbm>>
      %dma_start3A_74 = tpu.memref_slice %arg3[%add3A_6] : memref<16384xi32, #tpu.memory_space<hbm>> -> memref<128xi32, #tpu.memory_space<hbm>>
      tpu.enqueue_dma source(%dma_start3A_74 : memref<128xi32, #tpu.memory_space<hbm>>) target(%arg6 : memref<128xi32, #tpu.memory_space<vmem>>) target_semaphore(%run_scoped3A : memref<!tpu.dma_semaphore, #tpu.memory_space<semaphore_mem>>)
      %dma_wait3A_75 = tpu.memref_slice %arg3[%add3A_6] : memref<16384xi32, #tpu.memory_space<hbm>> -> memref<128xi32, #tpu.memory_space<hbm>>
      %dma_wait3A_76 = tpu.memref_slice %arg3[%add3A_6] : memref<16384xi32, #tpu.memory_space<hbm>> -> memref<128xi32, #tpu.memory_space<hbm>>
      tpu.wait_dma2 semaphore(%run_scoped3A : memref<!tpu.dma_semaphore, #tpu.memory_space<semaphore_mem>>) src(%dma_wait3A_76 : memref<128xi32, #tpu.memory_space<hbm>>) dst(%arg6 : memref<128xi32, #tpu.memory_space<vmem>>)
      tpu.yield
    }) : () -> ()
    %add3A_7 = arith.constant 256 : i32
    %add3A_8 = arith.addi %mul3A_2, %add3A_7 : i32
    "tpu.region"() ({
      %run_scoped3A = tpu.sem_alloc : memref<!tpu.dma_semaphore, #tpu.memory_space<semaphore_mem>>
      %dma_start3A_73 = tpu.memref_slice %arg3[%add3A_8] : memref<16384xi32, #tpu.memory_space<hbm>> -> memref<128xi32, #tpu.memory_space<hbm>>
      %dma_start3A_74 = tpu.memref_slice %arg3[%add3A_8] : memref<16384xi32, #tpu.memory_space<hbm>> -> memref<128xi32, #tpu.memory_space<hbm>>
      tpu.enqueue_dma source(%dma_start3A_74 : memref<128xi32, #tpu.memory_space<hbm>>) target(%arg7 : memref<128xi32, #tpu.memory_space<vmem>>) target_semaphore(%run_scoped3A : memref<!tpu.dma_semaphore, #tpu.memory_space<semaphore_mem>>)
      %dma_wait3A_75 = tpu.memref_slice %arg3[%add3A_8] : memref<16384xi32, #tpu.memory_space<hbm>> -> memref<128xi32, #tpu.memory_space<hbm>>
      %dma_wait3A_76 = tpu.memref_slice %arg3[%add3A_8] : memref<16384xi32, #tpu.memory_space<hbm>> -> memref<128xi32, #tpu.memory_space<hbm>>
      tpu.wait_dma2 semaphore(%run_scoped3A : memref<!tpu.dma_semaphore, #tpu.memory_space<semaphore_mem>>) src(%dma_wait3A_76 : memref<128xi32, #tpu.memory_space<hbm>>) dst(%arg7 : memref<128xi32, #tpu.memory_space<vmem>>)
      tpu.yield
    }) : () -> ()
    %add3A_9 = arith.constant 384 : i32
    %add3A_10 = arith.addi %mul3A_2, %add3A_9 : i32
    "tpu.region"() ({
      %run_scoped3A = tpu.sem_alloc : memref<!tpu.dma_semaphore, #tpu.memory_space<semaphore_mem>>
      %dma_start3A_73 = tpu.memref_slice %arg3[%add3A_10] : memref<16384xi32, #tpu.memory_space<hbm>> -> memref<128xi32, #tpu.memory_space<hbm>>
      %dma_start3A_74 = tpu.memref_slice %arg3[%add3A_10] : memref<16384xi32, #tpu.memory_space<hbm>> -> memref<128xi32, #tpu.memory_space<hbm>>
      tpu.enqueue_dma source(%dma_start3A_74 : memref<128xi32, #tpu.memory_space<hbm>>) target(%arg8 : memref<128xi32, #tpu.memory_space<vmem>>) target_semaphore(%run_scoped3A : memref<!tpu.dma_semaphore, #tpu.memory_space<semaphore_mem>>)
      %dma_wait3A_75 = tpu.memref_slice %arg3[%add3A_10] : memref<16384xi32, #tpu.memory_space<hbm>> -> memref<128xi32, #tpu.memory_space<hbm>>
      %dma_wait3A_76 = tpu.memref_slice %arg3[%add3A_10] : memref<16384xi32, #tpu.memory_space<hbm>> -> memref<128xi32, #tpu.memory_space<hbm>>
      tpu.wait_dma2 semaphore(%run_scoped3A : memref<!tpu.dma_semaphore, #tpu.memory_space<semaphore_mem>>) src(%dma_wait3A_76 : memref<128xi32, #tpu.memory_space<hbm>>) dst(%arg8 : memref<128xi32, #tpu.memory_space<vmem>>)
      tpu.yield
    }) : () -> ()
    %dma_start3A = arith.constant 0 : i32
    %dma_start3A_11 = arith.constant 0 : i32
    %dma_start3A_12 = tpu.memref_slice %arg2[%dma_start3A, %dma_start3A_11] : memref<256x128xf32, #tpu.memory_space<hbm>> -> memref<256x128xf32, #tpu.memory_space<hbm>>
    tpu.enqueue_indirect_dma source(%dma_start3A_12 : memref<256x128xf32, #tpu.memory_space<hbm>>) target(%arg9 : memref<128x128xf32, #tpu.memory_space<vmem>>) offsets(%arg5 : memref<128xi32, #tpu.memory_space<vmem>>) semaphore(%arg13 : memref<!tpu.dma_semaphore, #tpu.memory_space<semaphore_mem>>)
    %dma_start3A_13 = arith.constant 0 : i32
    %dma_start3A_14 = arith.constant 0 : i32
    %dma_start3A_15 = tpu.memref_slice %arg2[%dma_start3A_13, %dma_start3A_14] : memref<256x128xf32, #tpu.memory_space<hbm>> -> memref<256x128xf32, #tpu.memory_space<hbm>>
    tpu.enqueue_indirect_dma source(%dma_start3A_15 : memref<256x128xf32, #tpu.memory_space<hbm>>) target(%arg10 : memref<128x128xf32, #tpu.memory_space<vmem>>) offsets(%arg6 : memref<128xi32, #tpu.memory_space<vmem>>) semaphore(%arg14 : memref<!tpu.dma_semaphore, #tpu.memory_space<semaphore_mem>>)
    %dma_start3A_16 = arith.constant 0 : i32
    %dma_start3A_17 = arith.constant 0 : i32
    %dma_start3A_18 = tpu.memref_slice %arg2[%dma_start3A_16, %dma_start3A_17] : memref<256x128xf32, #tpu.memory_space<hbm>> -> memref<256x128xf32, #tpu.memory_space<hbm>>
    tpu.enqueue_indirect_dma source(%dma_start3A_18 : memref<256x128xf32, #tpu.memory_space<hbm>>) target(%arg11 : memref<128x128xf32, #tpu.memory_space<vmem>>) offsets(%arg7 : memref<128xi32, #tpu.memory_space<vmem>>) semaphore(%arg15 : memref<!tpu.dma_semaphore, #tpu.memory_space<semaphore_mem>>)
    %dma_start3A_19 = arith.constant 0 : i32
    %dma_start3A_20 = arith.constant 0 : i32
    %dma_start3A_21 = tpu.memref_slice %arg2[%dma_start3A_19, %dma_start3A_20] : memref<256x128xf32, #tpu.memory_space<hbm>> -> memref<256x128xf32, #tpu.memory_space<hbm>>
    tpu.enqueue_indirect_dma source(%dma_start3A_21 : memref<256x128xf32, #tpu.memory_space<hbm>>) target(%arg12 : memref<128x128xf32, #tpu.memory_space<vmem>>) offsets(%arg8 : memref<128xi32, #tpu.memory_space<vmem>>) semaphore(%arg16 : memref<!tpu.dma_semaphore, #tpu.memory_space<semaphore_mem>>)
    %dma_wait3A = arith.constant 0 : i32
    %dma_wait3A_22 = arith.constant 0 : i32
    %dma_wait3A_23 = tpu.memref_slice %arg2[%dma_wait3A, %dma_wait3A_22] : memref<256x128xf32, #tpu.memory_space<hbm>> -> memref<256x128xf32, #tpu.memory_space<hbm>>
    tpu.wait_indirect_dma semaphore(%arg13 : memref<!tpu.dma_semaphore, #tpu.memory_space<semaphore_mem>>) src(%dma_wait3A_23 : memref<256x128xf32, #tpu.memory_space<hbm>>) dst(%arg9 : memref<128x128xf32, #tpu.memory_space<vmem>>)
    %add3A_24 = arith.constant 0 : i32
    %add3A_25 = arith.addi %mul3A_2, %add3A_24 : i32
    %dma_start3A_26 = arith.constant 0 : i32
    %dma_start3A_27 = tpu.memref_slice %arg4[%add3A_25, %dma_start3A_26] : memref<16384x128xf32, #tpu.memory_space<hbm>> -> memref<128x128xf32, #tpu.memory_space<hbm>>
    %dma_start3A_28 = arith.constant 0 : i32
    %dma_start3A_29 = tpu.memref_slice %arg4[%add3A_25, %dma_start3A_28] : memref<16384x128xf32, #tpu.memory_space<hbm>> -> memref<128x128xf32, #tpu.memory_space<hbm>>
    tpu.enqueue_dma source(%arg9 : memref<128x128xf32, #tpu.memory_space<vmem>>) target(%dma_start3A_29 : memref<128x128xf32, #tpu.memory_space<hbm>>) target_semaphore(%arg17 : memref<!tpu.dma_semaphore, #tpu.memory_space<semaphore_mem>>)
    %dma_wait3A_30 = arith.constant 0 : i32
    %dma_wait3A_31 = arith.constant 0 : i32
    %dma_wait3A_32 = tpu.memref_slice %arg2[%dma_wait3A_30, %dma_wait3A_31] : memref<256x128xf32, #tpu.memory_space<hbm>> -> memref<256x128xf32, #tpu.memory_space<hbm>>
    tpu.wait_indirect_dma semaphore(%arg14 : memref<!tpu.dma_semaphore, #tpu.memory_space<semaphore_mem>>) src(%dma_wait3A_32 : memref<256x128xf32, #tpu.memory_space<hbm>>) dst(%arg10 : memref<128x128xf32, #tpu.memory_space<vmem>>)
    %add3A_33 = arith.constant 128 : i32
    %add3A_34 = arith.addi %mul3A_2, %add3A_33 : i32
    %dma_start3A_35 = arith.constant 0 : i32
    %dma_start3A_36 = tpu.memref_slice %arg4[%add3A_34, %dma_start3A_35] : memref<16384x128xf32, #tpu.memory_space<hbm>> -> memref<128x128xf32, #tpu.memory_space<hbm>>
    %dma_start3A_37 = arith.constant 0 : i32
    %dma_start3A_38 = tpu.memref_slice %arg4[%add3A_34, %dma_start3A_37] : memref<16384x128xf32, #tpu.memory_space<hbm>> -> memref<128x128xf32, #tpu.memory_space<hbm>>
    tpu.enqueue_dma source(%arg10 : memref<128x128xf32, #tpu.memory_space<vmem>>) target(%dma_start3A_38 : memref<128x128xf32, #tpu.memory_space<hbm>>) target_semaphore(%arg18 : memref<!tpu.dma_semaphore, #tpu.memory_space<semaphore_mem>>)
    %dma_wait3A_39 = arith.constant 0 : i32
    %dma_wait3A_40 = arith.constant 0 : i32
    %dma_wait3A_41 = tpu.memref_slice %arg2[%dma_wait3A_39, %dma_wait3A_40] : memref<256x128xf32, #tpu.memory_space<hbm>> -> memref<256x128xf32, #tpu.memory_space<hbm>>
    tpu.wait_indirect_dma semaphore(%arg15 : memref<!tpu.dma_semaphore, #tpu.memory_space<semaphore_mem>>) src(%dma_wait3A_41 : memref<256x128xf32, #tpu.memory_space<hbm>>) dst(%arg11 : memref<128x128xf32, #tpu.memory_space<vmem>>)
    %add3A_42 = arith.constant 256 : i32
    %add3A_43 = arith.addi %mul3A_2, %add3A_42 : i32
    %dma_start3A_44 = arith.constant 0 : i32
    %dma_start3A_45 = tpu.memref_slice %arg4[%add3A_43, %dma_start3A_44] : memref<16384x128xf32, #tpu.memory_space<hbm>> -> memref<128x128xf32, #tpu.memory_space<hbm>>
    %dma_start3A_46 = arith.constant 0 : i32
    %dma_start3A_47 = tpu.memref_slice %arg4[%add3A_43, %dma_start3A_46] : memref<16384x128xf32, #tpu.memory_space<hbm>> -> memref<128x128xf32, #tpu.memory_space<hbm>>
    tpu.enqueue_dma source(%arg11 : memref<128x128xf32, #tpu.memory_space<vmem>>) target(%dma_start3A_47 : memref<128x128xf32, #tpu.memory_space<hbm>>) target_semaphore(%arg19 : memref<!tpu.dma_semaphore, #tpu.memory_space<semaphore_mem>>)
    %dma_wait3A_48 = arith.constant 0 : i32
    %dma_wait3A_49 = arith.constant 0 : i32
    %dma_wait3A_50 = tpu.memref_slice %arg2[%dma_wait3A_48, %dma_wait3A_49] : memref<256x128xf32, #tpu.memory_space<hbm>> -> memref<256x128xf32, #tpu.memory_space<hbm>>
    tpu.wait_indirect_dma semaphore(%arg16 : memref<!tpu.dma_semaphore, #tpu.memory_space<semaphore_mem>>) src(%dma_wait3A_50 : memref<256x128xf32, #tpu.memory_space<hbm>>) dst(%arg12 : memref<128x128xf32, #tpu.memory_space<vmem>>)
    %add3A_51 = arith.constant 384 : i32
    %add3A_52 = arith.addi %mul3A_2, %add3A_51 : i32
    %dma_start3A_53 = arith.constant 0 : i32
    %dma_start3A_54 = tpu.memref_slice %arg4[%add3A_52, %dma_start3A_53] : memref<16384x128xf32, #tpu.memory_space<hbm>> -> memref<128x128xf32, #tpu.memory_space<hbm>>
    %dma_start3A_55 = arith.constant 0 : i32
    %dma_start3A_56 = tpu.memref_slice %arg4[%add3A_52, %dma_start3A_55] : memref<16384x128xf32, #tpu.memory_space<hbm>> -> memref<128x128xf32, #tpu.memory_space<hbm>>
    tpu.enqueue_dma source(%arg12 : memref<128x128xf32, #tpu.memory_space<vmem>>) target(%dma_start3A_56 : memref<128x128xf32, #tpu.memory_space<hbm>>) target_semaphore(%arg20 : memref<!tpu.dma_semaphore, #tpu.memory_space<semaphore_mem>>)
    %dma_wait3A_57 = arith.constant 0 : i32
    %dma_wait3A_58 = tpu.memref_slice %arg4[%add3A_25, %dma_wait3A_57] : memref<16384x128xf32, #tpu.memory_space<hbm>> -> memref<128x128xf32, #tpu.memory_space<hbm>>
    %dma_wait3A_59 = arith.constant 0 : i32
    %dma_wait3A_60 = tpu.memref_slice %arg4[%add3A_25, %dma_wait3A_59] : memref<16384x128xf32, #tpu.memory_space<hbm>> -> memref<128x128xf32, #tpu.memory_space<hbm>>
    tpu.wait_dma2 semaphore(%arg17 : memref<!tpu.dma_semaphore, #tpu.memory_space<semaphore_mem>>) src(%arg9 : memref<128x128xf32, #tpu.memory_space<vmem>>) dst(%dma_wait3A_60 : memref<128x128xf32, #tpu.memory_space<hbm>>)
    %dma_wait3A_61 = arith.constant 0 : i32
    %dma_wait3A_62 = tpu.memref_slice %arg4[%add3A_34, %dma_wait3A_61] : memref<16384x128xf32, #tpu.memory_space<hbm>> -> memref<128x128xf32, #tpu.memory_space<hbm>>
    %dma_wait3A_63 = arith.constant 0 : i32
    %dma_wait3A_64 = tpu.memref_slice %arg4[%add3A_34, %dma_wait3A_63] : memref<16384x128xf32, #tpu.memory_space<hbm>> -> memref<128x128xf32, #tpu.memory_space<hbm>>
    tpu.wait_dma2 semaphore(%arg18 : memref<!tpu.dma_semaphore, #tpu.memory_space<semaphore_mem>>) src(%arg10 : memref<128x128xf32, #tpu.memory_space<vmem>>) dst(%dma_wait3A_64 : memref<128x128xf32, #tpu.memory_space<hbm>>)
    %dma_wait3A_65 = arith.constant 0 : i32
    %dma_wait3A_66 = tpu.memref_slice %arg4[%add3A_43, %dma_wait3A_65] : memref<16384x128xf32, #tpu.memory_space<hbm>> -> memref<128x128xf32, #tpu.memory_space<hbm>>
    %dma_wait3A_67 = arith.constant 0 : i32
    %dma_wait3A_68 = tpu.memref_slice %arg4[%add3A_43, %dma_wait3A_67] : memref<16384x128xf32, #tpu.memory_space<hbm>> -> memref<128x128xf32, #tpu.memory_space<hbm>>
    tpu.wait_dma2 semaphore(%arg19 : memref<!tpu.dma_semaphore, #tpu.memory_space<semaphore_mem>>) src(%arg11 : memref<128x128xf32, #tpu.memory_space<vmem>>) dst(%dma_wait3A_68 : memref<128x128xf32, #tpu.memory_space<hbm>>)
    %dma_wait3A_69 = arith.constant 0 : i32
    %dma_wait3A_70 = tpu.memref_slice %arg4[%add3A_52, %dma_wait3A_69] : memref<16384x128xf32, #tpu.memory_space<hbm>> -> memref<128x128xf32, #tpu.memory_space<hbm>>
    %dma_wait3A_71 = arith.constant 0 : i32
    %dma_wait3A_72 = tpu.memref_slice %arg4[%add3A_52, %dma_wait3A_71] : memref<16384x128xf32, #tpu.memory_space<hbm>> -> memref<128x128xf32, #tpu.memory_space<hbm>>
    tpu.wait_dma2 semaphore(%arg20 : memref<!tpu.dma_semaphore, #tpu.memory_space<semaphore_mem>>) src(%arg12 : memref<128x128xf32, #tpu.memory_space<vmem>>) dst(%dma_wait3A_72 : memref<128x128xf32, #tpu.memory_space<hbm>>)
    return
  }
}

#map = affine_map<(d0, d1) -> (0, 0)>
#map1 = affine_map<(d0, d1) -> (0)>
module attributes {stable_mosaic.version = 14 : i64} {
  func.func @_sc_gather(%arg0: i32, %arg1: i32, %arg2: memref<65536x128xf32, #tpu.memory_space<hbm>>, %arg3: memref<16384xi32, #tpu.memory_space<hbm>>, %arg4: memref<16384x128xf32, #tpu.memory_space<hbm>>, %arg5: memref<128xi32, #tpu.memory_space<vmem>>, %arg6: memref<128xi32, #tpu.memory_space<vmem>>, %arg7: memref<128xi32, #tpu.memory_space<vmem>>, %arg8: memref<128xi32, #tpu.memory_space<vmem>>, %arg9: memref<128x128xf32, #tpu.memory_space<vmem>>, %arg10: memref<128x128xf32, #tpu.memory_space<vmem>>, %arg11: memref<128x128xf32, #tpu.memory_space<vmem>>, %arg12: memref<128x128xf32, #tpu.memory_space<vmem>>, %arg13: memref<!tpu.dma_semaphore, #tpu.memory_space<semaphore_mem>>, %arg14: memref<!tpu.dma_semaphore, #tpu.memory_space<semaphore_mem>>, %arg15: memref<!tpu.dma_semaphore, #tpu.memory_space<semaphore_mem>>, %arg16: memref<!tpu.dma_semaphore, #tpu.memory_space<semaphore_mem>>, %arg17: memref<!tpu.dma_semaphore, #tpu.memory_space<semaphore_mem>>, %arg18: memref<!tpu.dma_semaphore, #tpu.memory_space<semaphore_mem>>, %arg19: memref<!tpu.dma_semaphore, #tpu.memory_space<semaphore_mem>>, %arg20: memref<!tpu.dma_semaphore, #tpu.memory_space<semaphore_mem>>) attributes {dimension_semantics = [#tpu.dimension_semantics<core_parallel>, #tpu.dimension_semantics<subcore_parallel>], iteration_bounds = array<i64: 2, 16>, scalar_prefetch = 0 : i64, scratch_operands = 16 : i64, tpu.core_type = #tpu.core_type<sc_vector_subcore>, window_params = [{transform_indices = #map}, {transform_indices = #map1}, {transform_indices = #map}]} {
    %mul3A = arith.constant 2 : i32
    %mul3A_0 = arith.muli %arg1, %mul3A : i32
    %add3A = arith.addi %mul3A_0, %arg0 : i32
    %mul3A_1 = arith.constant 512 : i32
    %mul3A_2 = arith.muli %add3A, %mul3A_1 : i32
    %add3A_3 = arith.constant 0 : i32
    %add3A_4 = arith.addi %mul3A_2, %add3A_3 : i32
    "tpu.region"() ({
      %run_scoped3A = tpu.sem_alloc : memref<!tpu.dma_semaphore, #tpu.memory_space<semaphore_mem>>
      %dma_start3A_73 = tpu.memref_slice %arg3[%add3A_4] : memref<16384xi32, #tpu.memory_space<hbm>> -> memref<128xi32, #tpu.memory_space<hbm>>
      %dma_start3A_74 = tpu.memref_slice %arg3[%add3A_4] : memref<16384xi32, #tpu.memory_space<hbm>> -> memref<128xi32, #tpu.memory_space<hbm>>
      tpu.enqueue_dma source(%dma_start3A_74 : memref<128xi32, #tpu.memory_space<hbm>>) target(%arg5 : memref<128xi32, #tpu.memory_space<vmem>>) target_semaphore(%run_scoped3A : memref<!tpu.dma_semaphore, #tpu.memory_space<semaphore_mem>>)
      %dma_wait3A_75 = tpu.memref_slice %arg3[%add3A_4] : memref<16384xi32, #tpu.memory_space<hbm>> -> memref<128xi32, #tpu.memory_space<hbm>>
      %dma_wait3A_76 = tpu.memref_slice %arg3[%add3A_4] : memref<16384xi32, #tpu.memory_space<hbm>> -> memref<128xi32, #tpu.memory_space<hbm>>
      tpu.wait_dma2 semaphore(%run_scoped3A : memref<!tpu.dma_semaphore, #tpu.memory_space<semaphore_mem>>) src(%dma_wait3A_76 : memref<128xi32, #tpu.memory_space<hbm>>) dst(%arg5 : memref<128xi32, #tpu.memory_space<vmem>>)
      tpu.yield
    }) : () -> ()
    %add3A_5 = arith.constant 128 : i32
    %add3A_6 = arith.addi %mul3A_2, %add3A_5 : i32
    "tpu.region"() ({
      %run_scoped3A = tpu.sem_alloc : memref<!tpu.dma_semaphore, #tpu.memory_space<semaphore_mem>>
      %dma_start3A_73 = tpu.memref_slice %arg3[%add3A_6] : memref<16384xi32, #tpu.memory_space<hbm>> -> memref<128xi32, #tpu.memory_space<hbm>>
      %dma_start3A_74 = tpu.memref_slice %arg3[%add3A_6] : memref<16384xi32, #tpu.memory_space<hbm>> -> memref<128xi32, #tpu.memory_space<hbm>>
      tpu.enqueue_dma source(%dma_start3A_74 : memref<128xi32, #tpu.memory_space<hbm>>) target(%arg6 : memref<128xi32, #tpu.memory_space<vmem>>) target_semaphore(%run_scoped3A : memref<!tpu.dma_semaphore, #tpu.memory_space<semaphore_mem>>)
      %dma_wait3A_75 = tpu.memref_slice %arg3[%add3A_6] : memref<16384xi32, #tpu.memory_space<hbm>> -> memref<128xi32, #tpu.memory_space<hbm>>
      %dma_wait3A_76 = tpu.memref_slice %arg3[%add3A_6] : memref<16384xi32, #tpu.memory_space<hbm>> -> memref<128xi32, #tpu.memory_space<hbm>>
      tpu.wait_dma2 semaphore(%run_scoped3A : memref<!tpu.dma_semaphore, #tpu.memory_space<semaphore_mem>>) src(%dma_wait3A_76 : memref<128xi32, #tpu.memory_space<hbm>>) dst(%arg6 : memref<128xi32, #tpu.memory_space<vmem>>)
      tpu.yield
    }) : () -> ()
    %add3A_7 = arith.constant 256 : i32
    %add3A_8 = arith.addi %mul3A_2, %add3A_7 : i32
    "tpu.region"() ({
      %run_scoped3A = tpu.sem_alloc : memref<!tpu.dma_semaphore, #tpu.memory_space<semaphore_mem>>
      %dma_start3A_73 = tpu.memref_slice %arg3[%add3A_8] : memref<16384xi32, #tpu.memory_space<hbm>> -> memref<128xi32, #tpu.memory_space<hbm>>
      %dma_start3A_74 = tpu.memref_slice %arg3[%add3A_8] : memref<16384xi32, #tpu.memory_space<hbm>> -> memref<128xi32, #tpu.memory_space<hbm>>
      tpu.enqueue_dma source(%dma_start3A_74 : memref<128xi32, #tpu.memory_space<hbm>>) target(%arg7 : memref<128xi32, #tpu.memory_space<vmem>>) target_semaphore(%run_scoped3A : memref<!tpu.dma_semaphore, #tpu.memory_space<semaphore_mem>>)
      %dma_wait3A_75 = tpu.memref_slice %arg3[%add3A_8] : memref<16384xi32, #tpu.memory_space<hbm>> -> memref<128xi32, #tpu.memory_space<hbm>>
      %dma_wait3A_76 = tpu.memref_slice %arg3[%add3A_8] : memref<16384xi32, #tpu.memory_space<hbm>> -> memref<128xi32, #tpu.memory_space<hbm>>
      tpu.wait_dma2 semaphore(%run_scoped3A : memref<!tpu.dma_semaphore, #tpu.memory_space<semaphore_mem>>) src(%dma_wait3A_76 : memref<128xi32, #tpu.memory_space<hbm>>) dst(%arg7 : memref<128xi32, #tpu.memory_space<vmem>>)
      tpu.yield
    }) : () -> ()
    %add3A_9 = arith.constant 384 : i32
    %add3A_10 = arith.addi %mul3A_2, %add3A_9 : i32
    "tpu.region"() ({
      %run_scoped3A = tpu.sem_alloc : memref<!tpu.dma_semaphore, #tpu.memory_space<semaphore_mem>>
      %dma_start3A_73 = tpu.memref_slice %arg3[%add3A_10] : memref<16384xi32, #tpu.memory_space<hbm>> -> memref<128xi32, #tpu.memory_space<hbm>>
      %dma_start3A_74 = tpu.memref_slice %arg3[%add3A_10] : memref<16384xi32, #tpu.memory_space<hbm>> -> memref<128xi32, #tpu.memory_space<hbm>>
      tpu.enqueue_dma source(%dma_start3A_74 : memref<128xi32, #tpu.memory_space<hbm>>) target(%arg8 : memref<128xi32, #tpu.memory_space<vmem>>) target_semaphore(%run_scoped3A : memref<!tpu.dma_semaphore, #tpu.memory_space<semaphore_mem>>)
      %dma_wait3A_75 = tpu.memref_slice %arg3[%add3A_10] : memref<16384xi32, #tpu.memory_space<hbm>> -> memref<128xi32, #tpu.memory_space<hbm>>
      %dma_wait3A_76 = tpu.memref_slice %arg3[%add3A_10] : memref<16384xi32, #tpu.memory_space<hbm>> -> memref<128xi32, #tpu.memory_space<hbm>>
      tpu.wait_dma2 semaphore(%run_scoped3A : memref<!tpu.dma_semaphore, #tpu.memory_space<semaphore_mem>>) src(%dma_wait3A_76 : memref<128xi32, #tpu.memory_space<hbm>>) dst(%arg8 : memref<128xi32, #tpu.memory_space<vmem>>)
      tpu.yield
    }) : () -> ()
    %dma_start3A = arith.constant 0 : i32
    %dma_start3A_11 = arith.constant 0 : i32
    %dma_start3A_12 = tpu.memref_slice %arg2[%dma_start3A, %dma_start3A_11] : memref<65536x128xf32, #tpu.memory_space<hbm>> -> memref<65536x128xf32, #tpu.memory_space<hbm>>
    tpu.enqueue_indirect_dma source(%dma_start3A_12 : memref<65536x128xf32, #tpu.memory_space<hbm>>) target(%arg9 : memref<128x128xf32, #tpu.memory_space<vmem>>) offsets(%arg5 : memref<128xi32, #tpu.memory_space<vmem>>) semaphore(%arg13 : memref<!tpu.dma_semaphore, #tpu.memory_space<semaphore_mem>>)
    %dma_start3A_13 = arith.constant 0 : i32
    %dma_start3A_14 = arith.constant 0 : i32
    %dma_start3A_15 = tpu.memref_slice %arg2[%dma_start3A_13, %dma_start3A_14] : memref<65536x128xf32, #tpu.memory_space<hbm>> -> memref<65536x128xf32, #tpu.memory_space<hbm>>
    tpu.enqueue_indirect_dma source(%dma_start3A_15 : memref<65536x128xf32, #tpu.memory_space<hbm>>) target(%arg10 : memref<128x128xf32, #tpu.memory_space<vmem>>) offsets(%arg6 : memref<128xi32, #tpu.memory_space<vmem>>) semaphore(%arg14 : memref<!tpu.dma_semaphore, #tpu.memory_space<semaphore_mem>>)
    %dma_start3A_16 = arith.constant 0 : i32
    %dma_start3A_17 = arith.constant 0 : i32
    %dma_start3A_18 = tpu.memref_slice %arg2[%dma_start3A_16, %dma_start3A_17] : memref<65536x128xf32, #tpu.memory_space<hbm>> -> memref<65536x128xf32, #tpu.memory_space<hbm>>
    tpu.enqueue_indirect_dma source(%dma_start3A_18 : memref<65536x128xf32, #tpu.memory_space<hbm>>) target(%arg11 : memref<128x128xf32, #tpu.memory_space<vmem>>) offsets(%arg7 : memref<128xi32, #tpu.memory_space<vmem>>) semaphore(%arg15 : memref<!tpu.dma_semaphore, #tpu.memory_space<semaphore_mem>>)
    %dma_start3A_19 = arith.constant 0 : i32
    %dma_start3A_20 = arith.constant 0 : i32
    %dma_start3A_21 = tpu.memref_slice %arg2[%dma_start3A_19, %dma_start3A_20] : memref<65536x128xf32, #tpu.memory_space<hbm>> -> memref<65536x128xf32, #tpu.memory_space<hbm>>
    tpu.enqueue_indirect_dma source(%dma_start3A_21 : memref<65536x128xf32, #tpu.memory_space<hbm>>) target(%arg12 : memref<128x128xf32, #tpu.memory_space<vmem>>) offsets(%arg8 : memref<128xi32, #tpu.memory_space<vmem>>) semaphore(%arg16 : memref<!tpu.dma_semaphore, #tpu.memory_space<semaphore_mem>>)
    %dma_wait3A = arith.constant 0 : i32
    %dma_wait3A_22 = arith.constant 0 : i32
    %dma_wait3A_23 = tpu.memref_slice %arg2[%dma_wait3A, %dma_wait3A_22] : memref<65536x128xf32, #tpu.memory_space<hbm>> -> memref<65536x128xf32, #tpu.memory_space<hbm>>
    tpu.wait_indirect_dma semaphore(%arg13 : memref<!tpu.dma_semaphore, #tpu.memory_space<semaphore_mem>>) src(%dma_wait3A_23 : memref<65536x128xf32, #tpu.memory_space<hbm>>) dst(%arg9 : memref<128x128xf32, #tpu.memory_space<vmem>>)
    %add3A_24 = arith.constant 0 : i32
    %add3A_25 = arith.addi %mul3A_2, %add3A_24 : i32
    %dma_start3A_26 = arith.constant 0 : i32
    %dma_start3A_27 = tpu.memref_slice %arg4[%add3A_25, %dma_start3A_26] : memref<16384x128xf32, #tpu.memory_space<hbm>> -> memref<128x128xf32, #tpu.memory_space<hbm>>
    %dma_start3A_28 = arith.constant 0 : i32
    %dma_start3A_29 = tpu.memref_slice %arg4[%add3A_25, %dma_start3A_28] : memref<16384x128xf32, #tpu.memory_space<hbm>> -> memref<128x128xf32, #tpu.memory_space<hbm>>
    tpu.enqueue_dma source(%arg9 : memref<128x128xf32, #tpu.memory_space<vmem>>) target(%dma_start3A_29 : memref<128x128xf32, #tpu.memory_space<hbm>>) target_semaphore(%arg17 : memref<!tpu.dma_semaphore, #tpu.memory_space<semaphore_mem>>)
    %dma_wait3A_30 = arith.constant 0 : i32
    %dma_wait3A_31 = arith.constant 0 : i32
    %dma_wait3A_32 = tpu.memref_slice %arg2[%dma_wait3A_30, %dma_wait3A_31] : memref<65536x128xf32, #tpu.memory_space<hbm>> -> memref<65536x128xf32, #tpu.memory_space<hbm>>
    tpu.wait_indirect_dma semaphore(%arg14 : memref<!tpu.dma_semaphore, #tpu.memory_space<semaphore_mem>>) src(%dma_wait3A_32 : memref<65536x128xf32, #tpu.memory_space<hbm>>) dst(%arg10 : memref<128x128xf32, #tpu.memory_space<vmem>>)
    %add3A_33 = arith.constant 128 : i32
    %add3A_34 = arith.addi %mul3A_2, %add3A_33 : i32
    %dma_start3A_35 = arith.constant 0 : i32
    %dma_start3A_36 = tpu.memref_slice %arg4[%add3A_34, %dma_start3A_35] : memref<16384x128xf32, #tpu.memory_space<hbm>> -> memref<128x128xf32, #tpu.memory_space<hbm>>
    %dma_start3A_37 = arith.constant 0 : i32
    %dma_start3A_38 = tpu.memref_slice %arg4[%add3A_34, %dma_start3A_37] : memref<16384x128xf32, #tpu.memory_space<hbm>> -> memref<128x128xf32, #tpu.memory_space<hbm>>
    tpu.enqueue_dma source(%arg10 : memref<128x128xf32, #tpu.memory_space<vmem>>) target(%dma_start3A_38 : memref<128x128xf32, #tpu.memory_space<hbm>>) target_semaphore(%arg18 : memref<!tpu.dma_semaphore, #tpu.memory_space<semaphore_mem>>)
    %dma_wait3A_39 = arith.constant 0 : i32
    %dma_wait3A_40 = arith.constant 0 : i32
    %dma_wait3A_41 = tpu.memref_slice %arg2[%dma_wait3A_39, %dma_wait3A_40] : memref<65536x128xf32, #tpu.memory_space<hbm>> -> memref<65536x128xf32, #tpu.memory_space<hbm>>
    tpu.wait_indirect_dma semaphore(%arg15 : memref<!tpu.dma_semaphore, #tpu.memory_space<semaphore_mem>>) src(%dma_wait3A_41 : memref<65536x128xf32, #tpu.memory_space<hbm>>) dst(%arg11 : memref<128x128xf32, #tpu.memory_space<vmem>>)
    %add3A_42 = arith.constant 256 : i32
    %add3A_43 = arith.addi %mul3A_2, %add3A_42 : i32
    %dma_start3A_44 = arith.constant 0 : i32
    %dma_start3A_45 = tpu.memref_slice %arg4[%add3A_43, %dma_start3A_44] : memref<16384x128xf32, #tpu.memory_space<hbm>> -> memref<128x128xf32, #tpu.memory_space<hbm>>
    %dma_start3A_46 = arith.constant 0 : i32
    %dma_start3A_47 = tpu.memref_slice %arg4[%add3A_43, %dma_start3A_46] : memref<16384x128xf32, #tpu.memory_space<hbm>> -> memref<128x128xf32, #tpu.memory_space<hbm>>
    tpu.enqueue_dma source(%arg11 : memref<128x128xf32, #tpu.memory_space<vmem>>) target(%dma_start3A_47 : memref<128x128xf32, #tpu.memory_space<hbm>>) target_semaphore(%arg19 : memref<!tpu.dma_semaphore, #tpu.memory_space<semaphore_mem>>)
    %dma_wait3A_48 = arith.constant 0 : i32
    %dma_wait3A_49 = arith.constant 0 : i32
    %dma_wait3A_50 = tpu.memref_slice %arg2[%dma_wait3A_48, %dma_wait3A_49] : memref<65536x128xf32, #tpu.memory_space<hbm>> -> memref<65536x128xf32, #tpu.memory_space<hbm>>
    tpu.wait_indirect_dma semaphore(%arg16 : memref<!tpu.dma_semaphore, #tpu.memory_space<semaphore_mem>>) src(%dma_wait3A_50 : memref<65536x128xf32, #tpu.memory_space<hbm>>) dst(%arg12 : memref<128x128xf32, #tpu.memory_space<vmem>>)
    %add3A_51 = arith.constant 384 : i32
    %add3A_52 = arith.addi %mul3A_2, %add3A_51 : i32
    %dma_start3A_53 = arith.constant 0 : i32
    %dma_start3A_54 = tpu.memref_slice %arg4[%add3A_52, %dma_start3A_53] : memref<16384x128xf32, #tpu.memory_space<hbm>> -> memref<128x128xf32, #tpu.memory_space<hbm>>
    %dma_start3A_55 = arith.constant 0 : i32
    %dma_start3A_56 = tpu.memref_slice %arg4[%add3A_52, %dma_start3A_55] : memref<16384x128xf32, #tpu.memory_space<hbm>> -> memref<128x128xf32, #tpu.memory_space<hbm>>
    tpu.enqueue_dma source(%arg12 : memref<128x128xf32, #tpu.memory_space<vmem>>) target(%dma_start3A_56 : memref<128x128xf32, #tpu.memory_space<hbm>>) target_semaphore(%arg20 : memref<!tpu.dma_semaphore, #tpu.memory_space<semaphore_mem>>)
    %dma_wait3A_57 = arith.constant 0 : i32
    %dma_wait3A_58 = tpu.memref_slice %arg4[%add3A_25, %dma_wait3A_57] : memref<16384x128xf32, #tpu.memory_space<hbm>> -> memref<128x128xf32, #tpu.memory_space<hbm>>
    %dma_wait3A_59 = arith.constant 0 : i32
    %dma_wait3A_60 = tpu.memref_slice %arg4[%add3A_25, %dma_wait3A_59] : memref<16384x128xf32, #tpu.memory_space<hbm>> -> memref<128x128xf32, #tpu.memory_space<hbm>>
    tpu.wait_dma2 semaphore(%arg17 : memref<!tpu.dma_semaphore, #tpu.memory_space<semaphore_mem>>) src(%arg9 : memref<128x128xf32, #tpu.memory_space<vmem>>) dst(%dma_wait3A_60 : memref<128x128xf32, #tpu.memory_space<hbm>>)
    %dma_wait3A_61 = arith.constant 0 : i32
    %dma_wait3A_62 = tpu.memref_slice %arg4[%add3A_34, %dma_wait3A_61] : memref<16384x128xf32, #tpu.memory_space<hbm>> -> memref<128x128xf32, #tpu.memory_space<hbm>>
    %dma_wait3A_63 = arith.constant 0 : i32
    %dma_wait3A_64 = tpu.memref_slice %arg4[%add3A_34, %dma_wait3A_63] : memref<16384x128xf32, #tpu.memory_space<hbm>> -> memref<128x128xf32, #tpu.memory_space<hbm>>
    tpu.wait_dma2 semaphore(%arg18 : memref<!tpu.dma_semaphore, #tpu.memory_space<semaphore_mem>>) src(%arg10 : memref<128x128xf32, #tpu.memory_space<vmem>>) dst(%dma_wait3A_64 : memref<128x128xf32, #tpu.memory_space<hbm>>)
    %dma_wait3A_65 = arith.constant 0 : i32
    %dma_wait3A_66 = tpu.memref_slice %arg4[%add3A_43, %dma_wait3A_65] : memref<16384x128xf32, #tpu.memory_space<hbm>> -> memref<128x128xf32, #tpu.memory_space<hbm>>
    %dma_wait3A_67 = arith.constant 0 : i32
    %dma_wait3A_68 = tpu.memref_slice %arg4[%add3A_43, %dma_wait3A_67] : memref<16384x128xf32, #tpu.memory_space<hbm>> -> memref<128x128xf32, #tpu.memory_space<hbm>>
    tpu.wait_dma2 semaphore(%arg19 : memref<!tpu.dma_semaphore, #tpu.memory_space<semaphore_mem>>) src(%arg11 : memref<128x128xf32, #tpu.memory_space<vmem>>) dst(%dma_wait3A_68 : memref<128x128xf32, #tpu.memory_space<hbm>>)
    %dma_wait3A_69 = arith.constant 0 : i32
    %dma_wait3A_70 = tpu.memref_slice %arg4[%add3A_52, %dma_wait3A_69] : memref<16384x128xf32, #tpu.memory_space<hbm>> -> memref<128x128xf32, #tpu.memory_space<hbm>>
    %dma_wait3A_71 = arith.constant 0 : i32
    %dma_wait3A_72 = tpu.memref_slice %arg4[%add3A_52, %dma_wait3A_71] : memref<16384x128xf32, #tpu.memory_space<hbm>> -> memref<128x128xf32, #tpu.memory_space<hbm>>
    tpu.wait_dma2 semaphore(%arg20 : memref<!tpu.dma_semaphore, #tpu.memory_space<semaphore_mem>>) src(%arg12 : memref<128x128xf32, #tpu.memory_space<vmem>>) dst(%dma_wait3A_72 : memref<128x128xf32, #tpu.memory_space<hbm>>)
    return
  }
}

module attributes {stable_mosaic.version = 14 : i64} {
  func.func @_tp_body(%arg0: i32, %arg1: memref<64x256xf32, #tpu.memory_space<vmem>>, %arg2: memref<256x128xf32, #tpu.memory_space<vmem>>) attributes {dimension_semantics = [#tpu.dimension_semantics<arbitrary>], iteration_bounds = array<i64: 1>, scalar_prefetch = 0 : i64, scratch_operands = 0 : i64, tpu.core_type = #tpu.core_type<tc>, window_params = [{transform_indices = @transform_0, window_bounds = array<i64: 64, 256>}, {transform_indices = @transform_1, window_bounds = array<i64: 256, 128>}]} {
    %get3A = arith.constant 0 : index
    %get3A_0 = arith.constant 0 : index
    %get3A_1 = vector.load %arg1[%get3A, %get3A_0] : memref<64x256xf32, #tpu.memory_space<vmem>>, vector<64x256xf32>
    %transpose3A = tpu.transpose %get3A_1, [1, 0] : vector<64x256xf32> -> vector<256x64xf32>
    %swap3A = arith.constant 0 : index
    %swap3A_2 = arith.constant 0 : index
    %swap3A_3 = vector.load %arg2[%swap3A, %swap3A_2] : memref<256x128xf32, #tpu.memory_space<vmem>>, vector<256x64xf32>
    tpu.vector_store %arg2[%swap3A, %swap3A_2], %transpose3A {strides = array<i32>} : memref<256x128xf32, #tpu.memory_space<vmem>>, vector<256x64xf32>,
    return
  }
  func.func @transform_0(%arg0: i32) -> (i32, i32) {
    %c0_i32 = arith.constant 0 : i32
    %c0_i32_0 = arith.constant 0 : i32
    return %c0_i32, %arg0 : i32, i32
  }
  func.func @transform_1(%arg0: i32) -> (i32, i32) {
    %c0_i32 = arith.constant 0 : i32
    %c0_i32_0 = arith.constant 0 : i32
    return %arg0, %c0_i32 : i32, i32
  }
}

module attributes {stable_mosaic.version = 14 : i64} {
  func.func @_tp_body(%arg0: i32, %arg1: memref<64x16384xf32, #tpu.memory_space<vmem>>, %arg2: memref<16384x128xf32, #tpu.memory_space<vmem>>) attributes {dimension_semantics = [#tpu.dimension_semantics<arbitrary>], iteration_bounds = array<i64: 4>, scalar_prefetch = 0 : i64, scratch_operands = 0 : i64, tpu.core_type = #tpu.core_type<tc>, window_params = [{transform_indices = @transform_0, window_bounds = array<i64: 64, 16384>}, {transform_indices = @transform_1, window_bounds = array<i64: 16384, 128>}]} {
    %get3A = arith.constant 0 : index
    %get3A_0 = arith.constant 0 : index
    %get3A_1 = vector.load %arg1[%get3A, %get3A_0] : memref<64x16384xf32, #tpu.memory_space<vmem>>, vector<64x16384xf32>
    %transpose3A = tpu.transpose %get3A_1, [1, 0] : vector<64x16384xf32> -> vector<16384x64xf32>
    %swap3A = arith.constant 0 : index
    %swap3A_2 = arith.constant 0 : index
    %swap3A_3 = vector.load %arg2[%swap3A, %swap3A_2] : memref<16384x128xf32, #tpu.memory_space<vmem>>, vector<16384x64xf32>
    tpu.vector_store %arg2[%swap3A, %swap3A_2], %transpose3A {strides = array<i32>} : memref<16384x128xf32, #tpu.memory_space<vmem>>, vector<16384x64xf32>,
    return
  }
  func.func @transform_0(%arg0: i32) -> (i32, i32) {
    %c0_i32 = arith.constant 0 : i32
    %c0_i32_0 = arith.constant 0 : i32
    return %c0_i32, %arg0 : i32, i32
  }
  func.func @transform_1(%arg0: i32) -> (i32, i32) {
    %c0_i32 = arith.constant 0 : i32
    %c0_i32_0 = arith.constant 0 : i32
    return %arg0, %c0_i32 : i32, i32
  }
}

module attributes {stable_mosaic.version = 14 : i64} {
  func.func @_ip_body(%arg0: i32, %arg1: memref<32x64xf32, #tpu.memory_space<vmem>>, %arg2: memref<32x4096xf32, #tpu.memory_space<vmem>>, %arg3: memref<64x1xf32, #tpu.memory_space<vmem>>, %arg4: memref<64x4096xf32, #tpu.memory_space<vmem>>) attributes {dimension_semantics = [#tpu.dimension_semantics<arbitrary>], iteration_bounds = array<i64: 4>, scalar_prefetch = 0 : i64, scratch_operands = 0 : i64, tpu.core_type = #tpu.core_type<tc>, window_params = [{pipeline_mode = #tpu.pipeline_mode<synchronous>, transform_indices = @transform_0, window_bounds = array<i64: 32, 64>}, {transform_indices = @transform_1, window_bounds = array<i64: 32, 4096>}, {pipeline_mode = #tpu.pipeline_mode<synchronous>, transform_indices = @transform_2, window_bounds = array<i64: 64, 1>}, {transform_indices = @transform_3, window_bounds = array<i64: 64, 4096>}]} {
    %get3A = arith.constant 0 : index
    %get3A_0 = arith.constant 0 : index
    %get3A_1 = vector.load %arg1[%get3A, %get3A_0] : memref<32x64xf32, #tpu.memory_space<vmem>>, vector<32x64xf32>
    %get3A_2 = arith.constant 0 : index
    %get3A_3 = arith.constant 0 : index
    %get3A_4 = vector.load %arg2[%get3A_2, %get3A_3] : memref<32x4096xf32, #tpu.memory_space<vmem>>, vector<32x4096xf32>
    %dot_general3A = arith.constant dense<0.000000e+00> : vector<64x4096xf32>
    %dot_general3A_5 = tpu.matmul %get3A_1, %get3A_4, %dot_general3A {dimension_numbers = #tpu.dot_dimension_numbers<[0], [0], [1], [1], [0, 1, 1, 1], [], []>, transpose_lhs_hint = false} : vector<32x64xf32>, vector<32x4096xf32>, vector<64x4096xf32> -> vector<64x4096xf32>
    %get3A_6 = arith.constant 0 : index
    %get3A_7 = arith.constant 0 : index
    %get3A_8 = vector.load %arg3[%get3A_6, %get3A_7] : memref<64x1xf32, #tpu.memory_space<vmem>>, vector<64x1xf32>
    %add3A = vector.broadcast %get3A_8 : vector<64x1xf32> to vector<64x4096xf32>
    %add3A_9 = arith.addf %dot_general3A_5, %add3A : vector<64x4096xf32>
    %swap3A = arith.constant 0 : index
    %swap3A_10 = arith.constant 0 : index
    %swap3A_11 = vector.load %arg4[%swap3A, %swap3A_10] : memref<64x4096xf32, #tpu.memory_space<vmem>>, vector<64x4096xf32>
    tpu.vector_store %arg4[%swap3A, %swap3A_10], %add3A_9 {strides = array<i32>} : memref<64x4096xf32, #tpu.memory_space<vmem>>, vector<64x4096xf32>,
    return
  }
  func.func @transform_0(%arg0: i32) -> (i32, i32) {
    %c0_i32 = arith.constant 0 : i32
    %c0_i32_0 = arith.constant 0 : i32
    %c0_i32_1 = arith.constant 0 : i32
    return %c0_i32, %c0_i32_0 : i32, i32
  }
  func.func @transform_1(%arg0: i32) -> (i32, i32) {
    %c0_i32 = arith.constant 0 : i32
    %c0_i32_0 = arith.constant 0 : i32
    return %c0_i32, %arg0 : i32, i32
  }
  func.func @transform_2(%arg0: i32) -> (i32, i32) {
    %c0_i32 = arith.constant 0 : i32
    %c0_i32_0 = arith.constant 0 : i32
    %c0_i32_1 = arith.constant 0 : i32
    return %c0_i32, %c0_i32_0 : i32, i32
  }
  func.func @transform_3(%arg0: i32) -> (i32, i32) {
    %c0_i32 = arith.constant 0 : i32
    %c0_i32_0 = arith.constant 0 : i32
    return %c0_i32, %arg0 : i32, i32
  }
}

</mosaic_0001>

<sc_bundles>
// kernel: kernel.10.cloned.1.call-start
scs
__scs_entry_jumppad:
0x0: {  	(pc) =	sbr.rel $0x88, $3  }
0x1: {  	(tag) =	ssettag $0x0;
	lr =	simm.s32 $0x1  }
0x2: {  	[smem:$0x3F9A] =	sst lr;
	_ =	strace $0xD0000000  }
0x3: {  	_ = 	snop  }
0x4: {  	_ = 	snop  }
0x5: {  	_ = 	snop  }
0x6: {  	_ = 	snop  }
0x7: {  	_ = 	snop  }
__scs_overlays_trampoline_lowered:
0x8: {  	[smem:$0x3FA9] =	sst s0  }
0x9: {  	[smem:$0x3FAA] =	sst s1  }
0xa: {  	[smem:$0x3FAB] =	sst s2  }
0xb: {  	[smem:$0x3FAC] =	sst s3  }
0xc: {  	[smem:$0x3FAD] =	sst s4  }
0xd: {  	[smem:$0x3FAE] =	sst s5  }
0xe: {  	[smem:$0x3FAF] =	sst s6  }
0xf: {  	[smem:$0x3FB0] =	sst s7  }
0x10: {  	[smem:$0x3FB1] =	sst s8  }
0x11: {  	[smem:$0x3FB2] =	sst s9;
	s0 =	simm.s32 @!p0 $0x0  }
0x12: {  	s1 =	sld [smem:$0x3F98];
	s0 =	simm.s32 @p0 $0x1  }
0x13: {  	[smem:$0x3FB3] =	sst s0;
	s0 =	simm.s32 @!p1 $0x0  }
0x14: {  	s2 =	sld [smem:$0x3F97];
	s0 =	simm.s32 @p1 $0x1  }
0x15: {  	[smem:$0x3FB4] =	sst s0;
	s0 =	simm.s32 @!p2 $0x0  }
0x16: {  	s3 =	sld [smem:$0x3FDB];
	s0 =	simm.s32 @p2 $0x1  }
0x17: {  	s4 =	simm.s32 $0x1BF5;
	[smem:$0x3FB6] =	sst s0  }
0x18: {  	s0 =	sld [smem:$0x3F99];
	_ =	swait.ge [sflag:s4], $0x0  }
0x19: {  	s7 =	sld [smem:$0x3F9A]  }
0x1a: {  	s8 =	sadd.s32 $0xFFFFE003, lr  }
0x1b: {  	s9 =	sadd.s32 $0xFFFFFEF7, lr;
	s5 =	simm.s32 $0xFFFFFFFF;
	p2 =	slt.u32 s8, $0xFFFFF086  }
0x1c: {  	p1 =	slt.u32 s9, $0xF7A;
	s5 =	simm.s32 @!p2 $0x0  }
0x1d: {  	s5 =	simm.s32 @p1 $0x1;
	p0 =	seq.s32 s7, s2  }
0x1e: {  	s7 =	smul.u32 @!p0 $0xF7A, s2;
	p2 =	seq.s32 @!p0 s5, $0x0  }
0x1f: {  	s9 =	smul.u32 $0xF7A, s1;
	s8 =	simm.s32 @!p0 $0x1BF5;
	p2 =	por !p2, p0  }
0x20: {  	[sflag:s8] =	ssyncset.s32 @!p0 $0xFFFFF086;
	s6 =	sadd.s32 @!p0 s3, s7;
	s7 =	simm.s32 @!p0 $0x108  }
0x21: {  	s3 =	sadd.s32 s3, s9;
	s6 =	sadd.s32 @!p0 $0x88, s6;
	s7 =	simm.s32 @p2 $0x1082  }
0x22: {  	[simem:s7], [sflag:s8] =	dma.local @!p0 [hbm:s6], $0xF7A  }
0x23: {  	s9 =	sor.u32 $0xD0000000, s2;
	s6 =	simm.s32 $0x108;
	_ =	swait.ge @!p0 [sflag:s8], $0x0  }
0x24: {  	s3 =	sadd.s32 $0x88, s3;
	s6 =	simm.s32 @!p1 $0x1082;
	[sflag:s4] =	ssyncset.s32 $0xFFFFF086  }
0x25: {  	[simem:s6], [sflag:s4] =	dma.local [hbm:s3], $0xF7A  }
0x26: {  	[smem:$0x3F9A] =	sst s1;
	(tag) =	ssettag s2;
	_ =	strace s9  }
0x27: {  	s1 =	sld [smem:$0x3FAA]  }
0x28: {  	s2 =	sld [smem:$0x3FAB]  }
0x29: {  	s4 =	sld [smem:$0x3FAD]  }
0x2a: {  	p0 =	seq.s32 s5, $0x0;
	s5 =	sld [smem:$0x3FAE]  }
0x2b: {  	s6 =	sld [smem:$0x3FAF]  }
0x2c: {  	s7 =	sld [smem:$0x3FB0]  }
0x2d: {  	s3 =	simm.s32 $0x108;
	s8 =	sld [smem:$0x3FB1]  }
0x2e: {  	s3 =	simm.s32 @!p0 $0x1082;
	s9 =	sld [smem:$0x3FB2]  }
0x2f: {  	lr =	sadd.s32 s0, s3;
	s0 =	sld [smem:$0x3FA9]  }
0x30: {  	s3 =	sld [smem:$0x3FAC]  }
0x31: {  	[smem:$0x3FB5] =	sst s10  }
0x32: {  	s10 =	sld [smem:$0x3FB3];
	_ =	sdelay $0x3  }
0x33: {  	p0 =	seq.s32 s10, $0x1;
	s10 =	sld [smem:$0x3FB5];
	_ =	sdelay $0x3  }
0x34: {  	[smem:$0x3FB5] =	sst s10  }
0x35: {  	s10 =	sld [smem:$0x3FB4];
	_ =	sdelay $0x3  }
0x36: {  	p1 =	seq.s32 s10, $0x1;
	s10 =	sld [smem:$0x3FB5];
	_ =	sdelay $0x3  }
0x37: {  	[smem:$0x3FB5] =	sst s10  }
0x38: {  	s10 =	sld [smem:$0x3FB6]  }
0x39: {  	_ = 	snop;
	(pc) =	sbr.ind lr, $3  }
0x3a: {  	_ = 	snop  }
0x3b: {  	_ = 	snop  }
0x3c: {  	p2 =	seq.s32 s10, $0x1;
	s10 =	sld [smem:$0x3FB5]  }
0x3d: {  	_ =	shalt  }
0x3e: {  	_ =	shalt  }
0x3f: {  	_ =	shalt  }
0x40: {  	_ =	shalt  }
0x41: {  	_ =	shalt  }
0x42: {  	_ =	shalt  }
0x43: {  	_ =	shalt  }
0x44: {  	_ =	shalt  }
0x45: {  	_ =	shalt  }
0x46: {  	_ =	shalt  }
0x47: {  	_ =	shalt  }
0x48: {  	_ =	shalt  }
0x49: {  	_ =	shalt  }
0x4a: {  	_ =	shalt  }
0x4b: {  	_ =	shalt  }
0x4c: {  	_ =	shalt  }
0x4d: {  	_ =	shalt  }
0x4e: {  	_ =	shalt  }
0x4f: {  	_ =	shalt  }
0x50: {  	_ =	shalt  }
0x51: {  	_ =	shalt  }
0x52: {  	_ =	shalt  }
0x53: {  	_ =	shalt  }
0x54: {  	_ =	shalt  }
0x55: {  	_ =	shalt  }
0x56: {  	_ =	shalt  }
0x57: {  	_ =	shalt  }
0x58: {  	_ =	shalt  }
0x59: {  	_ =	shalt  }
0x5a: {  	_ =	shalt  }
0x5b: {  	_ =	shalt  }
0x5c: {  	_ =	shalt  }
0x5d: {  	_ =	shalt  }
0x5e: {  	_ =	shalt  }
0x5f: {  	_ =	shalt  }
0x60: {  	_ =	shalt  }
0x61: {  	_ =	shalt  }
0x62: {  	_ =	shalt  }
0x63: {  	_ =	shalt  }
0x64: {  	_ =	shalt  }
0x65: {  	_ =	shalt  }
0x66: {  	_ =	shalt  }
0x67: {  	_ =	shalt  }
0x68: {  	_ =	shalt  }
0x69: {  	_ =	shalt  }
0x6a: {  	_ =	shalt  }
0x6b: {  	_ =	shalt  }
0x6c: {  	_ =	shalt  }
0x6d: {  	_ =	shalt  }
0x6e: {  	_ =	shalt  }
0x6f: {  	_ =	shalt  }
0x70: {  	_ =	shalt  }
0x71: {  	_ =	shalt  }
0x72: {  	_ =	shalt  }
0x73: {  	_ =	shalt  }
0x74: {  	_ =	shalt  }
0x75: {  	_ =	shalt  }
0x76: {  	_ =	shalt  }
0x77: {  	_ =	shalt  }
0x78: {  	_ =	shalt  }
0x79: {  	_ =	shalt  }
0x7a: {  	_ =	shalt  }
0x7b: {  	_ =	shalt  }
0x7c: {  	_ =	shalt  }
0x7d: {  	_ =	shalt  }
0x7e: {  	_ =	shalt  }
0x7f: {  	_ =	shalt  }
0x80: {  	_ =	shalt  }
0x81: {  	_ =	shalt  }
0x82: {  	_ =	shalt  }
0x83: {  	_ =	shalt  }
0x84: {  	_ =	shalt  }
0x85: {  	_ =	shalt  }
0x86: {  	_ =	shalt  }
0x87: {  	_ =	shalt  }
.Lfunc_end0:
.L_simem_size_0:
called_computation.1_lowered:
.L_overlay_start_0:
0x88: {  	s2 =	sld [smem:$0x3FD9]  }
0x89: {  	s3 =	sld [smem:$0x3FFE];
	_ =	sdelay $0x1  }
0x8a: {  	s1 =	srdreg.scid  }
0x8b: {  	s0 =	sand.u32 $0x1, s1  }
0x8c: {  	s17 =	sshll.u32 s0, $0xA;
	s2 =	sadd.s32 s3, s2  }
0x8d: {  	s2 =	sadd.s32 s2, s17  }
0x8e: {  	[smem:$0x3FC1] =	sst s2  }
0x8f: {  	_ = 	snop  }
0x90: {  	s2 =	sld [smem:$0x3FC8];
	(tm) =	ssettm $0x1  }
0x91: {  	s18 =	sld [smem:$0x3FFB];
	_ =	sdelay $0x3  }
0x92: {  	_ =	strace s18  }
0x93: {  	s3 =	sld [smem:$0x3FFC];
	_ =	sdelay $0x3  }
0x94: {  	_ =	strace s3  }
0x95: {  	s3 =	sld [smem:$0x3FFD];
	_ =	sdelay $0x3  }
0x96: {  	_ =	strace s3  }
0x97: {  	_ =	strace $0x8FFFFFFF  }
0x98: {  	s19 =	sld [smem:$0x3FDB];
	_ =	sdelay $0x1  }
0x99: {  	s4 =	simm.s32 $_scs_section_size  }
0x9a: {  	s5 =	simm.s32 $_size__tile_overlayer_lowered;
	s6 =	simm.s32 $_tile_overlayer_lowered  }
0x9b: {  	s22 =	simm.s32 $0x1BFF;
	s21 =	sshll.u32 s6, $0x1;
	s3 =	sadd.s32 s4, s19  }
0x9c: {  	s7 =	simm.s32 $0x0;
	s20 =	sshll.u32 s5, $0x1;
	s5 =	sadd.s32 s21, s3  }
0x9d: {  	[timem:s7], [sflag:s22] =	dma.local [hbm:s5], s20  }
0x9e: {  	_ =	swait.ge [sflag:s22], s20  }
0x9f: {  	s4 =	ssub.s32 $0x0, s20;
	[sflag:s22] =	ssyncset.done $0x0  }
0xa0: {  	[sflag:s22] =	ssyncadd.s32 s4;
	_ =	sdelay $0x1  }
0xa1: {  	s23 =	simm.s32 $0x1B8B  }
0xa2: {  	_ =	swait.ge [sflag:s23], $0x1  }
0xa3: {  	[sflag:s23] =	ssyncset.done $0x0  }
0xa4: {  	s25 =	simm.s32 $0x1B8E;
	s24 =	sld [smem:$0x3FFE];
	[sflag:s23] =	ssyncadd.s32 $0xFFFFFFFF  }
0xa5: {  	s26 =	simm.s32 $execute0_lowered;
	[smem:$0x3FD2] =	sst s25  }
0xa6: {  	s5 =	sshll.u32 s26, $0x1;
	_ =	strace $0x80000046;
	[dreg:$0x1] =	wrdreg $0xFFFFFFFF  }
0xa7: {  	s28 =	simm.s32 $_size_execute0_lowered;
	s3 =	sadd.s32 s3, s5;
	[dreg:$0x0] =	wrdreg $0x0  }
0xa8: {  	s5 =	sshll.u32 s28, $0x1;
	[dreg:$0x2] =	wrdreg s3  }
0xa9: {  	[dreg:$0x3] =	wrdreg s5  }
0xaa: {  	[dreg:$0x4] =	wrdreg $0xC0  }
0xab: {  	_ =	task [dreg:s7], $0x5FFFF  }
0xac: {  	[dreg:$0x1] =	wrdreg $0xFFFFFFFF  }
0xad: {  	[dreg:$0x0] =	wrdreg $0x60  }
0xae: {  	[dreg:$0x2] =	wrdreg s24  }
0xaf: {  	[dreg:$0x3] =	wrdreg s2  }
0xb0: {  	[dreg:$0x4] =	wrdreg $0xA  }
0xb1: {  	_ =	task.clear_ibuf [dreg:s7], $0x5FFFF;
	_ =	strace $0x90000046  }
0xb2: {  	s29 =	simm.s32 $0xA;
	_ =	strace $0x80000048  }
0xb3: {  	_ =	swait.ge [sflag:s29], $0x1  }
0xb4: {  	[sflag:s29] =	ssyncadd.s32 $0xFFFFFFFF  }
0xb5: {  	_ =	strace $0x90000048  }
0xb6: {  	_ =	sfence  }
0xb7: {  	s30 =	sld [smem:$0x0];
	_ =	sdelay $0x2  }
0xb8: {  	s31 =	sshll.u32 s1, $0xD;
	s1 =	sshrl.u32 s1, $0x2  }
0xb9: {  	s3 =	sand.u32 $0x4000, s31;
	s1 =	sadd.s32 s1, s30  }
0xba: {  	s0 =	sor.u32 s3, s0;
	s1 =	sshll.u32 s1, $0x11  }
0xbb: {  	s0 =	sor.u32 s1, s0  }
0xbc: {  	s0 =	sadd.s32 $0x8F2B, s0  }
0xbd: {  	[sflag:s0] =	ssyncadd.remote.s32 $0x1  }
0xbe: {  	_ =	sfence.sel $0xFFFF  }
0xbf: {  	[dreg:$0x0] =	wrdreg $0xFFFFFFFF;
	(pc) =	sbr.abs _section_cstart, $3  }
0xc0: {  	[dreg:$0x1] =	wrdreg $0xFFFFFFFF  }
0xc1: {  	_ =	task.clear_ibuf [dreg:s7], $0x2FFFF;
	_ =	strace $0x9FFFFFFF  }
0xc2: {  	(tm) =	ssettm $0x7FFFFFFF  }
0xc3: {  	_ =	shalt  }
tec
execute0_lowered:
.L_overlay_start_1:
0x0: {  	(tag) =	ssettag $0x1  }
0x1: {  	s1 =	srdreg.scid  }
0x2: {  	s17 =	rddreg [dreg:$0x0];
	s0 =	stileid.u32;
	s26 =	sand.u32 $0x1, s1  }
0x3: {  	s9 =	rddreg [dreg:$0x1];
	s3 =	sshll.u32 s0, $0xA;
	s4 =	sshll.u32 s26, $0x9  }
0x4: {  	s2 =	simm.s32 $0x0;
	s1 =	rddreg [dreg:$0x2];
	s18 =	sor.u32 s4, s3  }
0x5: {  	[smem:$0x7FF] =	sst s2;
	s3 =	sshrl.u32 s18, $0x3  }
0x6: {  	_ =	strace $0x80000047;
	s4 =	simm.s32 $0x9;
	s3 =	sadd.s32 s9, s3  }
0x7: {  	[tilespmem:s2], [sflag:$0x9] =	stream.linear.gather [hbm4b:s3+s2], $0x80, $0x38;
	[tilespmem:$0x10200] =	vst v63  }
0x8: {  	s19 =	sor.u32 $0x80, s18;
	_ =	swait.ge [sflag:s4], $0x80  }
0x9: {  	s5 =	sshrl.u32 s19, $0x3;
	[sflag:s4] =	ssyncset.done $0x0  }
0xa: {  	s6 =	simm.s32 $0x80;
	s5 =	sadd.s32 s9, s5;
	[sflag:s4] =	ssyncadd.s32 $0xFFFFFF80  }
0xb: {  	[tilespmem:s6], [sflag:$0x9] =	stream.linear.gather [hbm4b:s5+s2], $0x80, $0x38;
	[tilespmem:$0x10200] =	vst v63  }
0xc: {  	s21 =	sor.u32 $0x100, s18;
	_ =	swait.ge [sflag:s4], $0x80  }
0xd: {  	s7 =	sshrl.u32 s21, $0x3;
	[sflag:s4] =	ssyncset.done $0x0  }
0xe: {  	s8 =	simm.s32 $0x100;
	s7 =	sadd.s32 s9, s7;
	[sflag:s4] =	ssyncadd.s32 $0xFFFFFF80  }
0xf: {  	[tilespmem:s8], [sflag:$0x9] =	stream.linear.gather [hbm4b:s7+s2], $0x80, $0x38;
	[tilespmem:$0x10200] =	vst v63  }
0x10: {  	s23 =	sor.u32 $0x180, s18;
	_ =	swait.ge [sflag:s4], $0x80  }
0x11: {  	s10 =	sshrl.u32 s23, $0x3;
	[sflag:s4] =	ssyncset.done $0x0  }
0x12: {  	s9 =	sadd.s32 s9, s10;
	s10 =	simm.s32 $0x180;
	[sflag:s4] =	ssyncadd.s32 $0xFFFFFF80  }
0x13: {  	[tilespmem:s10], [sflag:$0x9] =	stream.linear.gather [hbm4b:s9+s2], $0x80, $0x38;
	[tilespmem:$0x10200] =	vst v63  }
0x14: {  	_ =	swait.ge [sflag:s4], $0x80  }
0x15: {  	[sflag:s4] =	ssyncset.done $0x0  }
0x16: {  	s12 =	simm.s32 $0x200;
	s11 =	sadd.s32 $0x1400, s17;
	[sflag:s4] =	ssyncadd.s32 $0xFFFFFF80  }
0x17: {  	[tilespmem:s12], [sflag:$0x1] =	stream.indirect.gather [hbm4b:s11+s6], $0x80, s2, s6, $0xb8;
	[tilespmem:$0x10200] =	vst v63  }
0x18: {  	s13 =	simm.s32 $0x4200  }
0x19: {  	[tilespmem:s13], [sflag:$0x2] =	stream.indirect.gather [hbm4b:s11+s6], $0x80, s6, s6, $0xb8;
	[tilespmem:$0x10200] =	vst v63  }
0x1a: {  	s14 =	simm.s32 $0x8200  }
0x1b: {  	[tilespmem:s14], [sflag:$0x3] =	stream.indirect.gather [hbm4b:s11+s6], $0x80, s8, s6, $0xb8;
	[tilespmem:$0x10200] =	vst v63  }
0x1c: {  	s15 =	simm.s32 $0xC200;
	s16 =	simm.s32 $0x1  }
0x1d: {  	[tilespmem:s15], [sflag:$0x4] =	stream.indirect.gather [hbm4b:s11+s6], $0x80, s10, s6, $0xb8;
	[tilespmem:$0x10200] =	vst v63  }
0x1e: {  	_ =	swait.ge [sflag:s16], $0x4000  }
0x1f: {  	s24 =	sadd.s32 $0x101400, s17;
	s31 =	sshll.u32 s18, $0x4;
	[sflag:s16] =	ssyncset.done $0x0  }
0x20: {  	s18 =	simm.s32 $0x2;
	s17 =	sadd.s32 s24, s31;
	[sflag:s16] =	ssyncadd.s32 $0xFFFFC000  }
0x21: {  	[hbm4b:s17+s2] =	stream.linear.scatter [tilespmem:s12], [sflag:$0x5], $0x4000, $0x38;
	[tilespmem:$0x10200] =	vst v63  }
0x22: {  	_ =	swait.ge [sflag:s18], $0x4000  }
0x23: {  	s19 =	sshll.u32 s19, $0x4;
	[sflag:s18] =	ssyncset.done $0x0  }
0x24: {  	s20 =	simm.s32 $0x3;
	s19 =	sadd.s32 s24, s19;
	[sflag:s18] =	ssyncadd.s32 $0xFFFFC000  }
0x25: {  	[hbm4b:s19+s2] =	stream.linear.scatter [tilespmem:s13], [sflag:$0x6], $0x4000, $0x38;
	[tilespmem:$0x10200] =	vst v63  }
0x26: {  	_ =	swait.ge [sflag:s20], $0x4000  }
0x27: {  	s21 =	sshll.u32 s21, $0x4;
	[sflag:s20] =	ssyncset.done $0x0  }
0x28: {  	s22 =	simm.s32 $0x4;
	s21 =	sadd.s32 s24, s21;
	[sflag:s20] =	ssyncadd.s32 $0xFFFFC000  }
0x29: {  	[hbm4b:s21+s2] =	stream.linear.scatter [tilespmem:s14], [sflag:$0x7], $0x4000, $0x38;
	[tilespmem:$0x10200] =	vst v63  }
0x2a: {  	_ =	swait.ge [sflag:s22], $0x4000  }
0x2b: {  	s23 =	sshll.u32 s23, $0x4;
	[sflag:s22] =	ssyncset.done $0x0  }
0x2c: {  	s23 =	sadd.s32 s24, s23;
	s24 =	simm.s32 $0x5;
	[sflag:s22] =	ssyncadd.s32 $0xFFFFC000  }
0x2d: {  	[hbm4b:s23+s2] =	stream.linear.scatter [tilespmem:s15], [sflag:$0x8], $0x4000, $0x38;
	[tilespmem:$0x10200] =	vst v63  }
0x2e: {  	_ =	swait.ge [sflag:s24], $0x4000  }
0x2f: {  	s28 =	ssub.s32 $0x2, s26;
	[sflag:s24] =	ssyncset.done $0x0  }
0x30: {  	s25 =	simm.s32 $0x6;
	s29 =	sshrl.u32 s28, $0x1;
	[sflag:s24] =	ssyncadd.s32 $0xFFFFC000  }
0x31: {  	s28 =	ssub.s32 s28, s29;
	_ =	swait.ge [sflag:s25], $0x4000  }
0x32: {  	s29 =	smax.u32 s28, $0x1;
	[sflag:s25] =	ssyncset.done $0x0  }
0x33: {  	s26 =	simm.s32 $0x7;
	p0 =	sne.s32 s29, $0x1;
	[sflag:s25] =	ssyncadd.s32 $0xFFFFC000  }
.Ltmp0:
0x34: {  	_ =	swait.ge [sflag:s26], $0x4000;
	(pc) =	sbr.rel @!p0 .LBB2_2-.Ltmp0, $4  }
0x35: {  	[sflag:s26] =	ssyncset.done $0x0  }
0x36: {  	s28 =	simm.s32 $0x8;
	[sflag:s26] =	ssyncadd.s32 $0xFFFFC000  }
0x37: {  	_ =	swait.ge [sflag:s28], $0x4000  }
0x38: {  	s29 =	sadd.s32 $0xFFFFFFFF, s29;
	[sflag:s28] =	ssyncset.done $0x0  }
.LBB2_1:
0x39: {  	p0 =	sne.s32 s29, $0x1;
	s29 =	sadd.s32 $0xFFFFFFFF, s29;
	[sflag:s28] =	ssyncadd.s32 $0xFFFFC000  }
0x3a: {  	[tilespmem:s2], [sflag:$0x9] =	stream.linear.gather [hbm4b:s3+s2], $0x80, $0x38;
	[tilespmem:$0x10200] =	vst v63  }
0x3b: {  	_ =	swait.ge [sflag:s4], $0x80  }
0x3c: {  	[sflag:s4] =	ssyncset.done $0x0  }
0x3d: {  	[sflag:s4] =	ssyncadd.s32 $0xFFFFFF80  }
0x3e: {  	[tilespmem:s6], [sflag:$0x9] =	stream.linear.gather [hbm4b:s5+s2], $0x80, $0x38;
	[tilespmem:$0x10200] =	vst v63  }
0x3f: {  	_ =	swait.ge [sflag:s4], $0x80  }
0x40: {  	[sflag:s4] =	ssyncset.done $0x0  }
0x41: {  	[sflag:s4] =	ssyncadd.s32 $0xFFFFFF80  }
0x42: {  	[tilespmem:s8], [sflag:$0x9] =	stream.linear.gather [hbm4b:s7+s2], $0x80, $0x38;
	[tilespmem:$0x10200] =	vst v63  }
0x43: {  	_ =	swait.ge [sflag:s4], $0x80  }
0x44: {  	[sflag:s4] =	ssyncset.done $0x0  }
0x45: {  	[sflag:s4] =	ssyncadd.s32 $0xFFFFFF80  }
0x46: {  	[tilespmem:s10], [sflag:$0x9] =	stream.linear.gather [hbm4b:s9+s2], $0x80, $0x38;
	[tilespmem:$0x10200] =	vst v63  }
0x47: {  	_ =	swait.ge [sflag:s4], $0x80  }
0x48: {  	[sflag:s4] =	ssyncset.done $0x0  }
0x49: {  	[sflag:s4] =	ssyncadd.s32 $0xFFFFFF80  }
0x4a: {  	[tilespmem:s12], [sflag:$0x1] =	stream.indirect.gather [hbm4b:s11+s6], $0x80, s2, s6, $0xb8;
	[tilespmem:$0x10200] =	vst v63  }
0x4b: {  	_ = 	snop  }
0x4c: {  	[tilespmem:s13], [sflag:$0x2] =	stream.indirect.gather [hbm4b:s11+s6], $0x80, s6, s6, $0xb8;
	[tilespmem:$0x10200] =	vst v63  }
0x4d: {  	_ = 	snop  }
0x4e: {  	[tilespmem:s14], [sflag:$0x3] =	stream.indirect.gather [hbm4b:s11+s6], $0x80, s8, s6, $0xb8;
	[tilespmem:$0x10200] =	vst v63  }
0x4f: {  	_ = 	snop  }
0x50: {  	[tilespmem:s15], [sflag:$0x4] =	stream.indirect.gather [hbm4b:s11+s6], $0x80, s10, s6, $0xb8;
	[tilespmem:$0x10200] =	vst v63  }
0x51: {  	_ =	swait.ge [sflag:s16], $0x4000  }
0x52: {  	[sflag:s16] =	ssyncset.done $0x0  }
0x53: {  	[sflag:s16] =	ssyncadd.s32 $0xFFFFC000  }
0x54: {  	[hbm4b:s17+s2] =	stream.linear.scatter [tilespmem:s12], [sflag:$0x5], $0x4000, $0x38;
	[tilespmem:$0x10200] =	vst v63  }
0x55: {  	_ =	swait.ge [sflag:s18], $0x4000  }
0x56: {  	[sflag:s18] =	ssyncset.done $0x0  }
0x57: {  	[sflag:s18] =	ssyncadd.s32 $0xFFFFC000  }
0x58: {  	[hbm4b:s19+s2] =	stream.linear.scatter [tilespmem:s13], [sflag:$0x6], $0x4000, $0x38;
	[tilespmem:$0x10200] =	vst v63  }
0x59: {  	_ =	swait.ge [sflag:s20], $0x4000  }
0x5a: {  	[sflag:s20] =	ssyncset.done $0x0  }
0x5b: {  	[sflag:s20] =	ssyncadd.s32 $0xFFFFC000  }
0x5c: {  	[hbm4b:s21+s2] =	stream.linear.scatter [tilespmem:s14], [sflag:$0x7], $0x4000, $0x38;
	[tilespmem:$0x10200] =	vst v63  }
0x5d: {  	_ =	swait.ge [sflag:s22], $0x4000  }
0x5e: {  	[sflag:s22] =	ssyncset.done $0x0  }
0x5f: {  	[sflag:s22] =	ssyncadd.s32 $0xFFFFC000  }
0x60: {  	[hbm4b:s23+s2] =	stream.linear.scatter [tilespmem:s15], [sflag:$0x8], $0x4000, $0x38;
	[tilespmem:$0x10200] =	vst v63  }
0x61: {  	_ =	swait.ge [sflag:s24], $0x4000  }
0x62: {  	[sflag:s24] =	ssyncset.done $0x0  }
0x63: {  	[sflag:s24] =	ssyncadd.s32 $0xFFFFC000  }
0x64: {  	_ =	swait.ge [sflag:s25], $0x4000  }
0x65: {  	[sflag:s25] =	ssyncset.done $0x0  }
0x66: {  	[sflag:s25] =	ssyncadd.s32 $0xFFFFC000  }
.Ltmp1:
0x67: {  	_ =	swait.ge [sflag:s26], $0x4000;
	(pc) =	sbr.rel @p0 .LBB2_1-.Ltmp1, $4  }
0x68: {  	[sflag:s26] =	ssyncset.done $0x0  }
0x69: {  	[sflag:s26] =	ssyncadd.s32 $0xFFFFC000  }
0x6a: {  	_ =	swait.ge [sflag:s28], $0x4000  }
0x6b: {  	[sflag:s28] =	ssyncset.done $0x0  }
.LBB2_2:
0x6c: {  	[sflag:s28] =	ssyncadd.s32 $0xFFFFC000  }
0x6d: {  	_ =	sfence.sel $0x180000  }
0x6e: {  	[bflag:$0x0] =	sbarrier.arrive $0xFFFF  }
0x6f: {  	p0 =	sne.s32 s0, $0x0;
	_ =	strace $0x90000047  }
0x70: {  	s0 =	sadd.s32 @!p0 $0x100000, s1;
	[bflag:$0x2] =	sbarrier.arrive $0xFFFF  }
0x71: {  	[sflag:s0] =	ssyncadd.tile.s32 @!p0 $0x1;
	_ =	shalt  }
.Lfunc_end2:
_tile_overlayer_lowered:
.L_overlay_start_2:
0x72: {  	(tag) =	ssettag $0x2  }
0x73: {  	s0 =	rddreg [dreg:$0x0];
	s2 =	stileid.u32  }
0x74: {  	s1 =	rddreg [dreg:$0x1];
	p0 =	sne.s32 s2, $0x0  }
0x75: {  	s3 =	rddreg [dreg:$0x2];
	[bflag:$0x3] =	sbarrier.arrive $0xFFFF;
	s2 =	simm.s32 @!p0 $0x1C09  }
0x76: {  	[timem:s3], [sflag:s2] =	dma.local @!p0 [hbm:s0], s1  }
0x77: {  	s0 =	simm.s32 @!p0 $0x9  }
0x78: {  	_ =	swait.ge @!p0 [sflag:s0], s1  }
0x79: {  	s1 =	ssub.s32 @!p0 $0x0, s1;
	[sflag:s0] =	ssyncset.done @!p0 $0x0  }
0x7a: {  	[sflag:s0] =	ssyncadd.s32 @!p0 s1  }
0x7b: {  	[bflag:$0x3] =	sbarrier.arrive $0xFFFF  }
0x7c: {  	_ =	shalt  }

// kernel: kernel.7.cloned.1.call-start
scs
__scs_entry_jumppad:
0x0: {  	(pc) =	sbr.rel $0x88, $3  }
0x1: {  	(tag) =	ssettag $0x0;
	lr =	simm.s32 $0x1  }
0x2: {  	[smem:$0x3F9A] =	sst lr;
	_ =	strace $0xD0000000  }
0x3: {  	_ = 	snop  }
0x4: {  	_ = 	snop  }
0x5: {  	_ = 	snop  }
0x6: {  	_ = 	snop  }
0x7: {  	_ = 	snop  }
__scs_overlays_trampoline_lowered:
0x8: {  	[smem:$0x3FA9] =	sst s0  }
0x9: {  	[smem:$0x3FAA] =	sst s1  }
0xa: {  	[smem:$0x3FAB] =	sst s2  }
0xb: {  	[smem:$0x3FAC] =	sst s3  }
0xc: {  	[smem:$0x3FAD] =	sst s4  }
0xd: {  	[smem:$0x3FAE] =	sst s5  }
0xe: {  	[smem:$0x3FAF] =	sst s6  }
0xf: {  	[smem:$0x3FB0] =	sst s7  }
0x10: {  	[smem:$0x3FB1] =	sst s8  }
0x11: {  	[smem:$0x3FB2] =	sst s9;
	s0 =	simm.s32 @!p0 $0x0  }
0x12: {  	s1 =	sld [smem:$0x3F98];
	s0 =	simm.s32 @p0 $0x1  }
0x13: {  	[smem:$0x3FB3] =	sst s0;
	s0 =	simm.s32 @!p1 $0x0  }
0x14: {  	s2 =	sld [smem:$0x3F97];
	s0 =	simm.s32 @p1 $0x1  }
0x15: {  	[smem:$0x3FB4] =	sst s0;
	s0 =	simm.s32 @!p2 $0x0  }
0x16: {  	s3 =	sld [smem:$0x3FDB];
	s0 =	simm.s32 @p2 $0x1  }
0x17: {  	s4 =	simm.s32 $0x1BF5;
	[smem:$0x3FB6] =	sst s0  }
0x18: {  	s0 =	sld [smem:$0x3F99];
	_ =	swait.ge [sflag:s4], $0x0  }
0x19: {  	s7 =	sld [smem:$0x3F9A]  }
0x1a: {  	s8 =	sadd.s32 $0xFFFFE003, lr  }
0x1b: {  	s9 =	sadd.s32 $0xFFFFFEF7, lr;
	s5 =	simm.s32 $0xFFFFFFFF;
	p2 =	slt.u32 s8, $0xFFFFF086  }
0x1c: {  	p1 =	slt.u32 s9, $0xF7A;
	s5 =	simm.s32 @!p2 $0x0  }
0x1d: {  	s5 =	simm.s32 @p1 $0x1;
	p0 =	seq.s32 s7, s2  }
0x1e: {  	s7 =	smul.u32 @!p0 $0xF7A, s2;
	p2 =	seq.s32 @!p0 s5, $0x0  }
0x1f: {  	s9 =	smul.u32 $0xF7A, s1;
	s8 =	simm.s32 @!p0 $0x1BF5;
	p2 =	por !p2, p0  }
0x20: {  	[sflag:s8] =	ssyncset.s32 @!p0 $0xFFFFF086;
	s6 =	sadd.s32 @!p0 s3, s7;
	s7 =	simm.s32 @!p0 $0x108  }
0x21: {  	s3 =	sadd.s32 s3, s9;
	s6 =	sadd.s32 @!p0 $0x88, s6;
	s7 =	simm.s32 @p2 $0x1082  }
0x22: {  	[simem:s7], [sflag:s8] =	dma.local @!p0 [hbm:s6], $0xF7A  }
0x23: {  	s9 =	sor.u32 $0xD0000000, s2;
	s6 =	simm.s32 $0x108;
	_ =	swait.ge @!p0 [sflag:s8], $0x0  }
0x24: {  	s3 =	sadd.s32 $0x88, s3;
	s6 =	simm.s32 @!p1 $0x1082;
	[sflag:s4] =	ssyncset.s32 $0xFFFFF086  }
0x25: {  	[simem:s6], [sflag:s4] =	dma.local [hbm:s3], $0xF7A  }
0x26: {  	[smem:$0x3F9A] =	sst s1;
	(tag) =	ssettag s2;
	_ =	strace s9  }
0x27: {  	s1 =	sld [smem:$0x3FAA]  }
0x28: {  	s2 =	sld [smem:$0x3FAB]  }
0x29: {  	s4 =	sld [smem:$0x3FAD]  }
0x2a: {  	p0 =	seq.s32 s5, $0x0;
	s5 =	sld [smem:$0x3FAE]  }
0x2b: {  	s6 =	sld [smem:$0x3FAF]  }
0x2c: {  	s7 =	sld [smem:$0x3FB0]  }
0x2d: {  	s3 =	simm.s32 $0x108;
	s8 =	sld [smem:$0x3FB1]  }
0x2e: {  	s3 =	simm.s32 @!p0 $0x1082;
	s9 =	sld [smem:$0x3FB2]  }
0x2f: {  	lr =	sadd.s32 s0, s3;
	s0 =	sld [smem:$0x3FA9]  }
0x30: {  	s3 =	sld [smem:$0x3FAC]  }
0x31: {  	[smem:$0x3FB5] =	sst s10  }
0x32: {  	s10 =	sld [smem:$0x3FB3];
	_ =	sdelay $0x3  }
0x33: {  	p0 =	seq.s32 s10, $0x1;
	s10 =	sld [smem:$0x3FB5];
	_ =	sdelay $0x3  }
0x34: {  	[smem:$0x3FB5] =	sst s10  }
0x35: {  	s10 =	sld [smem:$0x3FB4];
	_ =	sdelay $0x3  }
0x36: {  	p1 =	seq.s32 s10, $0x1;
	s10 =	sld [smem:$0x3FB5];
	_ =	sdelay $0x3  }
0x37: {  	[smem:$0x3FB5] =	sst s10  }
0x38: {  	s10 =	sld [smem:$0x3FB6]  }
0x39: {  	_ = 	snop;
	(pc) =	sbr.ind lr, $3  }
0x3a: {  	_ = 	snop  }
0x3b: {  	_ = 	snop  }
0x3c: {  	p2 =	seq.s32 s10, $0x1;
	s10 =	sld [smem:$0x3FB5]  }
0x3d: {  	_ =	shalt  }
0x3e: {  	_ =	shalt  }
0x3f: {  	_ =	shalt  }
0x40: {  	_ =	shalt  }
0x41: {  	_ =	shalt  }
0x42: {  	_ =	shalt  }
0x43: {  	_ =	shalt  }
0x44: {  	_ =	shalt  }
0x45: {  	_ =	shalt  }
0x46: {  	_ =	shalt  }
0x47: {  	_ =	shalt  }
0x48: {  	_ =	shalt  }
0x49: {  	_ =	shalt  }
0x4a: {  	_ =	shalt  }
0x4b: {  	_ =	shalt  }
0x4c: {  	_ =	shalt  }
0x4d: {  	_ =	shalt  }
0x4e: {  	_ =	shalt  }
0x4f: {  	_ =	shalt  }
0x50: {  	_ =	shalt  }
0x51: {  	_ =	shalt  }
0x52: {  	_ =	shalt  }
0x53: {  	_ =	shalt  }
0x54: {  	_ =	shalt  }
0x55: {  	_ =	shalt  }
0x56: {  	_ =	shalt  }
0x57: {  	_ =	shalt  }
0x58: {  	_ =	shalt  }
0x59: {  	_ =	shalt  }
0x5a: {  	_ =	shalt  }
0x5b: {  	_ =	shalt  }
0x5c: {  	_ =	shalt  }
0x5d: {  	_ =	shalt  }
0x5e: {  	_ =	shalt  }
0x5f: {  	_ =	shalt  }
0x60: {  	_ =	shalt  }
0x61: {  	_ =	shalt  }
0x62: {  	_ =	shalt  }
0x63: {  	_ =	shalt  }
0x64: {  	_ =	shalt  }
0x65: {  	_ =	shalt  }
0x66: {  	_ =	shalt  }
0x67: {  	_ =	shalt  }
0x68: {  	_ =	shalt  }
0x69: {  	_ =	shalt  }
0x6a: {  	_ =	shalt  }
0x6b: {  	_ =	shalt  }
0x6c: {  	_ =	shalt  }
0x6d: {  	_ =	shalt  }
0x6e: {  	_ =	shalt  }
0x6f: {  	_ =	shalt  }
0x70: {  	_ =	shalt  }
0x71: {  	_ =	shalt  }
0x72: {  	_ =	shalt  }
0x73: {  	_ =	shalt  }
0x74: {  	_ =	shalt  }
0x75: {  	_ =	shalt  }
0x76: {  	_ =	shalt  }
0x77: {  	_ =	shalt  }
0x78: {  	_ =	shalt  }
0x79: {  	_ =	shalt  }
0x7a: {  	_ =	shalt  }
0x7b: {  	_ =	shalt  }
0x7c: {  	_ =	shalt  }
0x7d: {  	_ =	shalt  }
0x7e: {  	_ =	shalt  }
0x7f: {  	_ =	shalt  }
0x80: {  	_ =	shalt  }
0x81: {  	_ =	shalt  }
0x82: {  	_ =	shalt  }
0x83: {  	_ =	shalt  }
0x84: {  	_ =	shalt  }
0x85: {  	_ =	shalt  }
0x86: {  	_ =	shalt  }
0x87: {  	_ =	shalt  }
.Lfunc_end0:
.L_simem_size_0:
called_computation_lowered:
.L_overlay_start_0:
0x88: {  	s2 =	sld [smem:$0x3FD9]  }
0x89: {  	s3 =	sld [smem:$0x3FFE];
	_ =	sdelay $0x1  }
0x8a: {  	s1 =	srdreg.scid  }
0x8b: {  	s0 =	sand.u32 $0x1, s1  }
0x8c: {  	s15 =	sshll.u32 s0, $0xA;
	s2 =	sadd.s32 s3, s2  }
0x8d: {  	s2 =	sadd.s32 s2, s15  }
0x8e: {  	[smem:$0x3FC1] =	sst s2  }
0x8f: {  	_ = 	snop  }
0x90: {  	s16 =	sld [smem:$0x3FD0];
	_ =	sdelay $0x2  }
0x91: {  	s4 =	simm.s32 $0xB;
	s5 =	simm.s32 $0x10;
	s2 =	sld [smem:$0x3FC7]  }
0x92: {  	[smem:s5], [sflag:s4] =	dma.local [hbm:s16], $0x1  }
0x93: {  	_ =	swait.eq [sflag:s4], $0x1  }
0x94: {  	[sflag:s4] =	ssyncset.done $0x0  }
0x95: {  	[sflag:s4] =	ssyncadd.s32 $0xFFFFFFFF  }
0x96: {  	s17 =	sld [smem:$0x12];
	(tm) =	ssettm $0x1  }
0x97: {  	s18 =	sld [smem:$0x3FFB];
	_ =	sdelay $0x3  }
0x98: {  	_ =	strace s18  }
0x99: {  	s3 =	sld [smem:$0x3FFC];
	_ =	sdelay $0x3  }
0x9a: {  	_ =	strace s3  }
0x9b: {  	s3 =	sld [smem:$0x3FFD];
	_ =	sdelay $0x3  }
0x9c: {  	_ =	strace s3  }
0x9d: {  	_ =	strace $0x8FFFFFFF  }
0x9e: {  	s19 =	sld [smem:$0x3FDB];
	_ =	sdelay $0x1  }
0x9f: {  	s20 =	simm.s32 $_scs_section_size  }
0xa0: {  	s6 =	simm.s32 $_size__tile_overlayer_lowered;
	s7 =	simm.s32 $_tile_overlayer_lowered  }
0xa1: {  	s8 =	simm.s32 $0x1BFF;
	s21 =	sshll.u32 s7, $0x1;
	s5 =	sadd.s32 s20, s19  }
0xa2: {  	s22 =	simm.s32 $0x0;
	s6 =	sshll.u32 s6, $0x1;
	s7 =	sadd.s32 s21, s5  }
0xa3: {  	[timem:s22], [sflag:s8] =	dma.local [hbm:s7], s6  }
0xa4: {  	_ =	swait.ge [sflag:s8], s6  }
0xa5: {  	s6 =	ssub.s32 $0x0, s6;
	[sflag:s8] =	ssyncset.done $0x0  }
0xa6: {  	[sflag:s8] =	ssyncadd.s32 s6;
	_ =	sdelay $0x1  }
0xa7: {  	s23 =	simm.s32 $0x1B8B  }
0xa8: {  	_ =	swait.ge [sflag:s23], $0x1  }
0xa9: {  	[sflag:s23] =	ssyncset.done $0x0  }
0xaa: {  	[sflag:s23] =	ssyncadd.s32 $0xFFFFFFFF  }
0xab: {  	s6 =	sld [smem:$0x0]  }
0xac: {  	s7 =	sand.u32 $0xFFFFFFFE, s1  }
0xad: {  	p0 =	sne.s32 s1, s7  }
0xae: {  	s7 =	sshll.u32 @p0 s7, $0xE  }
0xaf: {  	s7 =	sadd.s32 @p0 $0x11B8D, s7;
	s8 =	sshll.u32 @p0 s6, $0x11  }
0xb0: {  	s7 =	sor.u32 @p0 s8, s7  }
0xb1: {  	[sflag:s7] =	ssyncadd.remote.s32 @p0 $0x1;
	_ =	sdelay $0x1  }
0xb2: {  	s7 =	simm.s32 @p0 $0x1B8D  }
0xb3: {  	_ =	swait.eq @p0 [sflag:s7], $0x1  }
0xb4: {  	[sflag:s7] =	ssyncadd.s32 @p0 $0xFFFFFFFF  }
0xb5: {  	s8 =	sshll.u32 @!p0 s1, $0xE  }
0xb6: {  	s8 =	sor.u32 @!p0 $0x4000, s8;
	s7 =	simm.s32 @!p0 $0x1B8D  }
0xb7: {  	s6 =	sshll.u32 @!p0 s6, $0x11;
	s8 =	sadd.s32 @!p0 $0x11B8D, s8;
	_ =	swait.eq @!p0 [sflag:s7], $0x1  }
0xb8: {  	s6 =	sor.u32 @!p0 s6, s8;
	[sflag:s7] =	ssyncadd.s32 @!p0 $0xFFFFFFFF  }
0xb9: {  	s25 =	simm.s32 $0x1B8E;
	s24 =	sld [smem:$0x3FFE];
	[sflag:s6] =	ssyncadd.remote.s32 @!p0 $0x1  }
0xba: {  	s26 =	simm.s32 $execute0_lowered;
	[smem:$0x3FD2] =	sst s25  }
0xbb: {  	s7 =	sshll.u32 s26, $0x1;
	_ =	strace $0x80000049;
	[dreg:$0x1] =	wrdreg $0xFFFFFFFF  }
0xbc: {  	s28 =	simm.s32 $_size_execute0_lowered;
	s5 =	sadd.s32 s5, s7;
	[dreg:$0x0] =	wrdreg $0x0  }
0xbd: {  	s7 =	sshll.u32 s28, $0x1;
	[dreg:$0x2] =	wrdreg s5  }
0xbe: {  	[dreg:$0x3] =	wrdreg s7  }
0xbf: {  	[dreg:$0x4] =	wrdreg $0xC0  }
0xc0: {  	_ =	task [dreg:s22], $0x5FFFF  }
0xc1: {  	[dreg:$0x1] =	wrdreg $0xFFFFFFFF  }
0xc2: {  	[dreg:$0x0] =	wrdreg $0x60  }
0xc3: {  	[dreg:$0x2] =	wrdreg s17  }
0xc4: {  	[dreg:$0x3] =	wrdreg s2  }
0xc5: {  	[dreg:$0x4] =	wrdreg s24  }
0xc6: {  	[dreg:$0x5] =	wrdreg $0x9  }
0xc7: {  	_ =	task.clear_ibuf [dreg:s22], $0x6FFFF;
	_ =	strace $0x90000049  }
0xc8: {  	s29 =	simm.s32 $0x9;
	_ =	strace $0x8000004B  }
0xc9: {  	_ =	swait.ge [sflag:s29], $0x1  }
0xca: {  	[sflag:s29] =	ssyncadd.s32 $0xFFFFFFFF  }
0xcb: {  	_ =	strace $0x9000004B  }
0xcc: {  	_ =	sfence  }
0xcd: {  	s30 =	sld [smem:$0x0];
	_ =	sdelay $0x2  }
0xce: {  	s31 =	sshll.u32 s1, $0xD;
	s1 =	sshrl.u32 s1, $0x2  }
0xcf: {  	s4 =	sand.u32 $0x4000, s31;
	s1 =	sadd.s32 s1, s30  }
0xd0: {  	s0 =	sor.u32 s4, s0;
	s1 =	sshll.u32 s1, $0x11  }
0xd1: {  	s0 =	sor.u32 s1, s0  }
0xd2: {  	s0 =	sadd.s32 $0x8F2B, s0  }
0xd3: {  	[sflag:s0] =	ssyncadd.remote.s32 $0x1  }
0xd4: {  	_ =	sfence.sel $0xFFFF  }
0xd5: {  	[dreg:$0x0] =	wrdreg $0xFFFFFFFF;
	(pc) =	sbr.abs _section_cstart, $3  }
0xd6: {  	[dreg:$0x1] =	wrdreg $0xFFFFFFFF  }
0xd7: {  	_ =	task.clear_ibuf [dreg:s22], $0x2FFFF;
	_ =	strace $0x9FFFFFFF  }
0xd8: {  	(tm) =	ssettm $0x7FFFFFFF  }
0xd9: {  	_ =	shalt  }
tec
execute0_lowered:
.L_overlay_start_1:
0x0: {  	(tag) =	ssettag $0x1  }
0x1: {  	s1 =	rddreg [dreg:$0x0];
	s2 =	srdreg.scid  }
0x2: {  	s10 =	rddreg [dreg:$0x1];
	s0 =	stileid.u32;
	s26 =	sand.u32 $0x1, s2  }
0x3: {  	s17 =	rddreg [dreg:$0x2];
	s4 =	sshll.u32 s0, $0xA;
	s5 =	sshll.u32 s26, $0x9  }
0x4: {  	s3 =	simm.s32 $0x0;
	s2 =	rddreg [dreg:$0x3];
	s18 =	sor.u32 s5, s4  }
0x5: {  	[smem:$0x7FF] =	sst s3;
	s4 =	sshrl.u32 s18, $0x3  }
0x6: {  	_ =	strace $0x8000004A;
	s5 =	simm.s32 $0x9;
	s4 =	sadd.s32 s10, s4  }
0x7: {  	[tilespmem:s3], [sflag:$0x9] =	stream.linear.gather [hbm4b:s4+s3], $0x80, $0x38;
	[tilespmem:$0x10200] =	vst v63  }
0x8: {  	s19 =	sor.u32 $0x80, s18;
	_ =	swait.ge [sflag:s5], $0x80  }
0x9: {  	s6 =	sshrl.u32 s19, $0x3;
	[sflag:s5] =	ssyncset.done $0x0  }
0xa: {  	s7 =	simm.s32 $0x80;
	s6 =	sadd.s32 s10, s6;
	[sflag:s5] =	ssyncadd.s32 $0xFFFFFF80  }
0xb: {  	[tilespmem:s7], [sflag:$0x9] =	stream.linear.gather [hbm4b:s6+s3], $0x80, $0x38;
	[tilespmem:$0x10200] =	vst v63  }
0xc: {  	s21 =	sor.u32 $0x100, s18;
	_ =	swait.ge [sflag:s5], $0x80  }
0xd: {  	s8 =	sshrl.u32 s21, $0x3;
	[sflag:s5] =	ssyncset.done $0x0  }
0xe: {  	s9 =	simm.s32 $0x100;
	s8 =	sadd.s32 s10, s8;
	[sflag:s5] =	ssyncadd.s32 $0xFFFFFF80  }
0xf: {  	[tilespmem:s9], [sflag:$0x9] =	stream.linear.gather [hbm4b:s8+s3], $0x80, $0x38;
	[tilespmem:$0x10200] =	vst v63  }
0x10: {  	s23 =	sor.u32 $0x180, s18;
	_ =	swait.ge [sflag:s5], $0x80  }
0x11: {  	s11 =	sshrl.u32 s23, $0x3;
	[sflag:s5] =	ssyncset.done $0x0  }
0x12: {  	s10 =	sadd.s32 s10, s11;
	s11 =	simm.s32 $0x180;
	[sflag:s5] =	ssyncadd.s32 $0xFFFFFF80  }
0x13: {  	[tilespmem:s11], [sflag:$0x9] =	stream.linear.gather [hbm4b:s10+s3], $0x80, $0x38;
	[tilespmem:$0x10200] =	vst v63  }
0x14: {  	_ =	swait.ge [sflag:s5], $0x80  }
0x15: {  	[sflag:s5] =	ssyncset.done $0x0  }
0x16: {  	s12 =	simm.s32 $0x200;
	[sflag:s5] =	ssyncadd.s32 $0xFFFFFF80  }
0x17: {  	[tilespmem:s12], [sflag:$0x1] =	stream.indirect.gather [hbm4b:s1+s7], $0x80, s3, s7, $0xb8;
	[tilespmem:$0x10200] =	vst v63  }
0x18: {  	s13 =	simm.s32 $0x4200  }
0x19: {  	[tilespmem:s13], [sflag:$0x2] =	stream.indirect.gather [hbm4b:s1+s7], $0x80, s7, s7, $0xb8;
	[tilespmem:$0x10200] =	vst v63  }
0x1a: {  	s14 =	simm.s32 $0x8200  }
0x1b: {  	[tilespmem:s14], [sflag:$0x3] =	stream.indirect.gather [hbm4b:s1+s7], $0x80, s9, s7, $0xb8;
	[tilespmem:$0x10200] =	vst v63  }
0x1c: {  	s15 =	simm.s32 $0xC200;
	s16 =	simm.s32 $0x1  }
0x1d: {  	[tilespmem:s15], [sflag:$0x4] =	stream.indirect.gather [hbm4b:s1+s7], $0x80, s11, s7, $0xb8;
	[tilespmem:$0x10200] =	vst v63  }
0x1e: {  	_ =	swait.ge [sflag:s16], $0x4000  }
0x1f: {  	s24 =	sadd.s32 $0x141400, s17;
	s31 =	sshll.u32 s18, $0x4;
	[sflag:s16] =	ssyncset.done $0x0  }
0x20: {  	s18 =	simm.s32 $0x2;
	s17 =	sadd.s32 s24, s31;
	[sflag:s16] =	ssyncadd.s32 $0xFFFFC000  }
0x21: {  	[hbm4b:s17+s3] =	stream.linear.scatter [tilespmem:s12], [sflag:$0x5], $0x4000, $0x38;
	[tilespmem:$0x10200] =	vst v63  }
0x22: {  	_ =	swait.ge [sflag:s18], $0x4000  }
0x23: {  	s19 =	sshll.u32 s19, $0x4;
	[sflag:s18] =	ssyncset.done $0x0  }
0x24: {  	s20 =	simm.s32 $0x3;
	s19 =	sadd.s32 s24, s19;
	[sflag:s18] =	ssyncadd.s32 $0xFFFFC000  }
0x25: {  	[hbm4b:s19+s3] =	stream.linear.scatter [tilespmem:s13], [sflag:$0x6], $0x4000, $0x38;
	[tilespmem:$0x10200] =	vst v63  }
0x26: {  	_ =	swait.ge [sflag:s20], $0x4000  }
0x27: {  	s21 =	sshll.u32 s21, $0x4;
	[sflag:s20] =	ssyncset.done $0x0  }
0x28: {  	s22 =	simm.s32 $0x4;
	s21 =	sadd.s32 s24, s21;
	[sflag:s20] =	ssyncadd.s32 $0xFFFFC000  }
0x29: {  	[hbm4b:s21+s3] =	stream.linear.scatter [tilespmem:s14], [sflag:$0x7], $0x4000, $0x38;
	[tilespmem:$0x10200] =	vst v63  }
0x2a: {  	_ =	swait.ge [sflag:s22], $0x4000  }
0x2b: {  	s23 =	sshll.u32 s23, $0x4;
	[sflag:s22] =	ssyncset.done $0x0  }
0x2c: {  	s23 =	sadd.s32 s24, s23;
	s24 =	simm.s32 $0x5;
	[sflag:s22] =	ssyncadd.s32 $0xFFFFC000  }
0x2d: {  	[hbm4b:s23+s3] =	stream.linear.scatter [tilespmem:s15], [sflag:$0x8], $0x4000, $0x38;
	[tilespmem:$0x10200] =	vst v63  }
0x2e: {  	_ =	swait.ge [sflag:s24], $0x4000  }
0x2f: {  	s28 =	ssub.s32 $0x2, s26;
	[sflag:s24] =	ssyncset.done $0x0  }
0x30: {  	s25 =	simm.s32 $0x6;
	s29 =	sshrl.u32 s28, $0x1;
	[sflag:s24] =	ssyncadd.s32 $0xFFFFC000  }
0x31: {  	s28 =	ssub.s32 s28, s29;
	_ =	swait.ge [sflag:s25], $0x4000  }
0x32: {  	s29 =	smax.u32 s28, $0x1;
	[sflag:s25] =	ssyncset.done $0x0  }
0x33: {  	s26 =	simm.s32 $0x7;
	p0 =	sne.s32 s29, $0x1;
	[sflag:s25] =	ssyncadd.s32 $0xFFFFC000  }
.Ltmp0:
0x34: {  	_ =	swait.ge [sflag:s26], $0x4000;
	(pc) =	sbr.rel @!p0 .LBB2_2-.Ltmp0, $4  }
0x35: {  	[sflag:s26] =	ssyncset.done $0x0  }
0x36: {  	s28 =	simm.s32 $0x8;
	[sflag:s26] =	ssyncadd.s32 $0xFFFFC000  }
0x37: {  	_ =	swait.ge [sflag:s28], $0x4000  }
0x38: {  	s29 =	sadd.s32 $0xFFFFFFFF, s29;
	[sflag:s28] =	ssyncset.done $0x0  }
.LBB2_1:
0x39: {  	p0 =	sne.s32 s29, $0x1;
	s29 =	sadd.s32 $0xFFFFFFFF, s29;
	[sflag:s28] =	ssyncadd.s32 $0xFFFFC000  }
0x3a: {  	[tilespmem:s3], [sflag:$0x9] =	stream.linear.gather [hbm4b:s4+s3], $0x80, $0x38;
	[tilespmem:$0x10200] =	vst v63  }
0x3b: {  	_ =	swait.ge [sflag:s5], $0x80  }
0x3c: {  	[sflag:s5] =	ssyncset.done $0x0  }
0x3d: {  	[sflag:s5] =	ssyncadd.s32 $0xFFFFFF80  }
0x3e: {  	[tilespmem:s7], [sflag:$0x9] =	stream.linear.gather [hbm4b:s6+s3], $0x80, $0x38;
	[tilespmem:$0x10200] =	vst v63  }
0x3f: {  	_ =	swait.ge [sflag:s5], $0x80  }
0x40: {  	[sflag:s5] =	ssyncset.done $0x0  }
0x41: {  	[sflag:s5] =	ssyncadd.s32 $0xFFFFFF80  }
0x42: {  	[tilespmem:s9], [sflag:$0x9] =	stream.linear.gather [hbm4b:s8+s3], $0x80, $0x38;
	[tilespmem:$0x10200] =	vst v63  }
0x43: {  	_ =	swait.ge [sflag:s5], $0x80  }
0x44: {  	[sflag:s5] =	ssyncset.done $0x0  }
0x45: {  	[sflag:s5] =	ssyncadd.s32 $0xFFFFFF80  }
0x46: {  	[tilespmem:s11], [sflag:$0x9] =	stream.linear.gather [hbm4b:s10+s3], $0x80, $0x38;
	[tilespmem:$0x10200] =	vst v63  }
0x47: {  	_ =	swait.ge [sflag:s5], $0x80  }
0x48: {  	[sflag:s5] =	ssyncset.done $0x0  }
0x49: {  	[sflag:s5] =	ssyncadd.s32 $0xFFFFFF80  }
0x4a: {  	[tilespmem:s12], [sflag:$0x1] =	stream.indirect.gather [hbm4b:s1+s7], $0x80, s3, s7, $0xb8;
	[tilespmem:$0x10200] =	vst v63  }
0x4b: {  	_ = 	snop  }
0x4c: {  	[tilespmem:s13], [sflag:$0x2] =	stream.indirect.gather [hbm4b:s1+s7], $0x80, s7, s7, $0xb8;
	[tilespmem:$0x10200] =	vst v63  }
0x4d: {  	_ = 	snop  }
0x4e: {  	[tilespmem:s14], [sflag:$0x3] =	stream.indirect.gather [hbm4b:s1+s7], $0x80, s9, s7, $0xb8;
	[tilespmem:$0x10200] =	vst v63  }
0x4f: {  	_ = 	snop  }
0x50: {  	[tilespmem:s15], [sflag:$0x4] =	stream.indirect.gather [hbm4b:s1+s7], $0x80, s11, s7, $0xb8;
	[tilespmem:$0x10200] =	vst v63  }
0x51: {  	_ =	swait.ge [sflag:s16], $0x4000  }
0x52: {  	[sflag:s16] =	ssyncset.done $0x0  }
0x53: {  	[sflag:s16] =	ssyncadd.s32 $0xFFFFC000  }
0x54: {  	[hbm4b:s17+s3] =	stream.linear.scatter [tilespmem:s12], [sflag:$0x5], $0x4000, $0x38;
	[tilespmem:$0x10200] =	vst v63  }
0x55: {  	_ =	swait.ge [sflag:s18], $0x4000  }
0x56: {  	[sflag:s18] =	ssyncset.done $0x0  }
0x57: {  	[sflag:s18] =	ssyncadd.s32 $0xFFFFC000  }
0x58: {  	[hbm4b:s19+s3] =	stream.linear.scatter [tilespmem:s13], [sflag:$0x6], $0x4000, $0x38;
	[tilespmem:$0x10200] =	vst v63  }
0x59: {  	_ =	swait.ge [sflag:s20], $0x4000  }
0x5a: {  	[sflag:s20] =	ssyncset.done $0x0  }
0x5b: {  	[sflag:s20] =	ssyncadd.s32 $0xFFFFC000  }
0x5c: {  	[hbm4b:s21+s3] =	stream.linear.scatter [tilespmem:s14], [sflag:$0x7], $0x4000, $0x38;
	[tilespmem:$0x10200] =	vst v63  }
0x5d: {  	_ =	swait.ge [sflag:s22], $0x4000  }
0x5e: {  	[sflag:s22] =	ssyncset.done $0x0  }
0x5f: {  	[sflag:s22] =	ssyncadd.s32 $0xFFFFC000  }
0x60: {  	[hbm4b:s23+s3] =	stream.linear.scatter [tilespmem:s15], [sflag:$0x8], $0x4000, $0x38;
	[tilespmem:$0x10200] =	vst v63  }
0x61: {  	_ =	swait.ge [sflag:s24], $0x4000  }
0x62: {  	[sflag:s24] =	ssyncset.done $0x0  }
0x63: {  	[sflag:s24] =	ssyncadd.s32 $0xFFFFC000  }
0x64: {  	_ =	swait.ge [sflag:s25], $0x4000  }
0x65: {  	[sflag:s25] =	ssyncset.done $0x0  }
0x66: {  	[sflag:s25] =	ssyncadd.s32 $0xFFFFC000  }
.Ltmp1:
0x67: {  	_ =	swait.ge [sflag:s26], $0x4000;
	(pc) =	sbr.rel @p0 .LBB2_1-.Ltmp1, $4  }
0x68: {  	[sflag:s26] =	ssyncset.done $0x0  }
0x69: {  	[sflag:s26] =	ssyncadd.s32 $0xFFFFC000  }
0x6a: {  	_ =	swait.ge [sflag:s28], $0x4000  }
0x6b: {  	[sflag:s28] =	ssyncset.done $0x0  }
.LBB2_2:
0x6c: {  	[sflag:s28] =	ssyncadd.s32 $0xFFFFC000  }
0x6d: {  	_ =	sfence.sel $0x180000  }
0x6e: {  	[bflag:$0x0] =	sbarrier.arrive $0xFFFF  }
0x6f: {  	p0 =	sne.s32 s0, $0x0;
	_ =	strace $0x9000004A  }
0x70: {  	s0 =	sadd.s32 @!p0 $0x100000, s2;
	[bflag:$0x2] =	sbarrier.arrive $0xFFFF  }
0x71: {  	[sflag:s0] =	ssyncadd.tile.s32 @!p0 $0x1;
	_ =	shalt  }
.Lfunc_end2:
_tile_overlayer_lowered:
.L_overlay_start_2:
0x72: {  	(tag) =	ssettag $0x2  }
0x73: {  	s0 =	rddreg [dreg:$0x0];
	s2 =	stileid.u32  }
0x74: {  	s1 =	rddreg [dreg:$0x1];
	p0 =	sne.s32 s2, $0x0  }
0x75: {  	s3 =	rddreg [dreg:$0x2];
	[bflag:$0x3] =	sbarrier.arrive $0xFFFF;
	s2 =	simm.s32 @!p0 $0x1C09  }
0x76: {  	[timem:s3], [sflag:s2] =	dma.local @!p0 [hbm:s0], s1  }
0x77: {  	s0 =	simm.s32 @!p0 $0x9  }
0x78: {  	_ =	swait.ge @!p0 [sflag:s0], s1  }
0x79: {  	s1 =	ssub.s32 @!p0 $0x0, s1;
	[sflag:s0] =	ssyncset.done @!p0 $0x0  }
0x7a: {  	[sflag:s0] =	ssyncadd.s32 @!p0 s1  }
0x7b: {  	[bflag:$0x3] =	sbarrier.arrive $0xFFFF  }
0x7c: {  	_ =	shalt  }

</sc_bundles>
